<compile_context>
chip_gen: v7x
topology: tpu7x:2x2x1
jax: 0.10.2.dev20260603
libtpu: 0.0.44.dev20260713+nightly
codegen_flags: <defaults>
</compile_context>

<pallas_src>
import functools

import jax
import jax.numpy as jnp
from jax import lax
from jax.experimental import pallas as pl
from jax.experimental.pallas import tpu as pltpu
from jax.experimental.pallas import tpu_sc as plsc

N = 10000
D = 128
E = 320000
NC, NS = 2, 16
NW = NC * NS
NPAD = 10240
RB = NPAD // NS
CHUNK = 128
CH = 79
UNROLL = 8
EPT = CH * CHUNK
E_PAD = EPT * NW
TCB = 256
GRID = NPAD // TCB

_mesh = plsc.VectorSubcoreMesh(
    core_axis_name="c", subcore_axis_name="s", num_cores=NC, num_subcores=NS)



@functools.partial(
    pl.kernel,
    out_type=jax.ShapeDtypeStruct((NC, NPAD, D), jnp.float32),
    mesh=_mesh,
    scratch_types=[
        pltpu.VMEM_SHARED((NPAD, D), jnp.float32),
        pltpu.VMEM((CHUNK, D), jnp.float32),
        pltpu.VMEM((CHUNK,), jnp.int32),
        pltpu.VMEM((CHUNK,), jnp.int32),
        pltpu.VMEM((CHUNK,), jnp.int32),
        pltpu.VMEM((CHUNK,), jnp.int32),
        pltpu.SemaphoreType.DMA,
    ],
)
def _sc_deg(dst_hbm, zero_hbm, ones_hbm, out_hbm, acc, ones_v, idx_a, idx_b,
            idx_c, idx_d, sem):
    c = lax.axis_index("c")
    s = lax.axis_index("s")
    wid = c * NS + s
    pltpu.sync_copy(zero_hbm, acc.at[pl.ds(s * RB, RB)])
    pltpu.sync_copy(ones_hbm, ones_v)
    plsc.subcore_barrier()

    idxs = (idx_a, idx_b, idx_c, idx_d)

    def body(g, carry):
        base = wid * EPT + g * (4 * CHUNK)
        descs = []
        for j in range(4):
            pltpu.sync_copy(dst_hbm.at[pl.ds(base + j * CHUNK, CHUNK)],
                            idxs[j])
            descs.append(
                pltpu.async_copy(ones_v, acc.at[idxs[j]], sem, add=True))
        for d in descs:
            d.wait()
        return carry

    lax.fori_loop(0, CH // 4, body, 0)
    for k in range((CH // 4) * 4, CH):
        base = wid * EPT + k * CHUNK
        pltpu.sync_copy(dst_hbm.at[pl.ds(base, CHUNK)], idx_a)
        pltpu.sync_copy(ones_v, acc.at[idx_a], add=True)
    plsc.subcore_barrier()
    pltpu.sync_copy(acc.at[pl.ds(s * RB, RB)], out_hbm.at[c, pl.ds(s * RB, RB)])


@functools.partial(
    pl.kernel,
    out_type=jax.ShapeDtypeStruct((NC, NPAD, D), jnp.float32),
    mesh=_mesh,
    scratch_types=[
        pltpu.VMEM_SHARED((NPAD, D), jnp.float32),
        pltpu.VMEM((CHUNK, D), jnp.float32),
        pltpu.VMEM((CHUNK, D), jnp.float32),
        pltpu.VMEM((CHUNK,), jnp.int32),
        pltpu.VMEM((CHUNK,), jnp.int32),
        pltpu.VMEM((CHUNK,), jnp.int32),
        pltpu.VMEM((CHUNK,), jnp.int32),
        pltpu.SemaphoreType.DMA,
        pltpu.SemaphoreType.DMA,
        pltpu.SemaphoreType.DMA,
    ],
)
def _sc_scatter(z_hbm, src_hbm, dst_hbm, zero_hbm, out_hbm,
                acc, rows_a, rows_b, sidx_a, sidx_b, didx_a, didx_b,
                gsem, ssem, isem):
    c = lax.axis_index("c")
    s = lax.axis_index("s")
    wid = c * NS + s
    pltpu.sync_copy(zero_hbm, acc.at[pl.ds(s * RB, RB)])
    plsc.subcore_barrier()

    def body(g, carry):
        base = wid * EPT + g * (2 * CHUNK)
        ia = pltpu.async_copy(src_hbm.at[pl.ds(base, CHUNK)], sidx_a, isem)
        ib = pltpu.async_copy(dst_hbm.at[pl.ds(base, CHUNK)], didx_a, isem)
        ia.wait()
        ib.wait()
        ga = pltpu.async_copy(z_hbm.at[sidx_a], rows_a, gsem)

        @pl.when(g > 0)
        def _drain():
            pltpu.make_async_copy(rows_b, acc.at[didx_b], ssem).wait()

        ic = pltpu.async_copy(src_hbm.at[pl.ds(base + CHUNK, CHUNK)],
                              sidx_b, isem)
        id_ = pltpu.async_copy(dst_hbm.at[pl.ds(base + CHUNK, CHUNK)],
                               didx_b, isem)
        ic.wait()
        id_.wait()
        ga.wait()
        gb = pltpu.async_copy(z_hbm.at[sidx_b], rows_b, gsem)
        d1 = pltpu.async_copy(rows_a, acc.at[didx_a], ssem, add=True)
        gb.wait()
        pltpu.async_copy(rows_b, acc.at[didx_b], ssem, add=True)
        d1.wait()
        return carry

    lax.fori_loop(0, CH // 2, body, 0)
    pltpu.make_async_copy(rows_b, acc.at[didx_b], ssem).wait()
    base = wid * EPT + (CH - 1) * CHUNK
    pltpu.sync_copy(src_hbm.at[pl.ds(base, CHUNK)], sidx_a)
    pltpu.sync_copy(dst_hbm.at[pl.ds(base, CHUNK)], didx_a)
    pltpu.sync_copy(z_hbm.at[sidx_a], rows_a)
    pltpu.sync_copy(rows_a, acc.at[didx_a], add=True)
    plsc.subcore_barrier()
    pltpu.sync_copy(acc.at[pl.ds(s * RB, RB)], out_hbm.at[c, pl.ds(s * RB, RB)])



def _dinv_block(degp):
    deg = degp[0, :, 0:1] + degp[1, :, 0:1] + 1.0
    return lax.rsqrt(deg)


def _row_mask(i):
    rows = i * TCB + lax.broadcasted_iota(jnp.int32, (TCB, 1), 0)
    return rows < N


def _tc_first(degp_ref, x_ref, w_ref, z_ref):
    i = pl.program_id(0)
    dinv = _dinv_block(degp_ref[...])
    xw = jnp.dot(x_ref[...], w_ref[...], preferred_element_type=jnp.float32)
    z_ref[...] = jnp.where(_row_mask(i), xw * dinv, 0.0)


def _tc_mid(degp_ref, p_ref, z_ref, b_ref, w_ref, z2_ref):
    i = pl.program_id(0)
    dinv = _dinv_block(degp_ref[...])
    ssum = p_ref[0] + p_ref[1] + z_ref[...]
    h = jnp.maximum(dinv * ssum + b_ref[...], 0.0)
    h = jnp.where(_row_mask(i), h, 0.0)
    z2_ref[...] = jnp.dot(h, w_ref[...], preferred_element_type=jnp.float32) * dinv


def _tc_last(degp_ref, p_ref, z_ref, b_ref, wfc_ref, bfc_ref, y_ref):
    i = pl.program_id(0)
    dinv = _dinv_block(degp_ref[...])
    ssum = p_ref[0] + p_ref[1] + z_ref[...]
    h = jnp.maximum(dinv * ssum + b_ref[...], 0.0)
    h = jnp.where(_row_mask(i), h, 0.0)
    y_ref[...] = jnp.sum(h * wfc_ref[...], axis=1, keepdims=True) + bfc_ref[0, 0]


_degp_spec = pl.BlockSpec((NC, TCB, D), lambda i: (0, i, 0))
_rows_spec = pl.BlockSpec((TCB, D), lambda i: (i, 0))
_parts_spec = pl.BlockSpec((NC, TCB, D), lambda i: (0, i, 0))
_w_spec = pl.BlockSpec((D, D), lambda i: (0, 0))
_b_spec = pl.BlockSpec((1, D), lambda i: (0, 0))


def _tc_first_call(degp, x, w):
    return pl.pallas_call(
        _tc_first,
        grid=(GRID,),
        in_specs=[_degp_spec, _rows_spec, _w_spec],
        out_specs=_rows_spec,
        out_shape=jax.ShapeDtypeStruct((NPAD, D), jnp.float32),
    )(degp, x, w)


def _tc_mid_call(degp, parts, z, b2d, w):
    return pl.pallas_call(
        _tc_mid,
        grid=(GRID,),
        in_specs=[_degp_spec, _parts_spec, _rows_spec, _b_spec, _w_spec],
        out_specs=_rows_spec,
        out_shape=jax.ShapeDtypeStruct((NPAD, D), jnp.float32),
    )(degp, parts, z, b2d, w)


def _tc_last_call(degp, parts, z, b2d, wfc_row, bfc2d):
    return pl.pallas_call(
        _tc_last,
        grid=(GRID,),
        in_specs=[_degp_spec, _parts_spec, _rows_spec, _b_spec, _b_spec,
                  pl.BlockSpec((1, 1), lambda i: (0, 0))],
        out_specs=pl.BlockSpec((TCB, 1), lambda i: (i, 0)),
        out_shape=jax.ShapeDtypeStruct((NPAD, 1), jnp.float32),
    )(degp, parts, z, b2d, wfc_row, bfc2d)



def kernel(x, edge_index, W1, b1, W2, b2, Wfc, bfc):
    ei = edge_index.astype(jnp.int32)
    pad = jnp.full((E_PAD - E,), N, jnp.int32)
    srcp = jnp.concatenate([ei[0], pad])
    dstp = jnp.concatenate([ei[1], pad])

    zeroD = jnp.zeros((RB, D), jnp.float32)
    onesD = jnp.ones((CHUNK, D), jnp.float32)

    degp = _sc_deg(dstp, zeroD, onesD)

    z1 = _tc_first_call(degp, x, W1)
    p1 = _sc_scatter(z1, srcp, dstp, zeroD)
    z2 = _tc_mid_call(degp, p1, z1, b1.reshape(1, D), W2)
    p2 = _sc_scatter(z2, srcp, dstp, zeroD)
    y = _tc_last_call(degp, p2, z2, b2.reshape(1, D),
                      Wfc.reshape(1, D), bfc.reshape(1, 1))
    return y[:N]

# --- scband reference (transcript-rebuilt; emitter-appended) ---
"""Pipeline reference for scband-molecule-gnn-4398046511960 (READ-ONLY COPY).

The authoritative reference and input builder live on the scoring server;
editing this copy changes nothing except your own understanding.
"""

import jax, jax.numpy as jnp
import numpy as np

N_NODES = 10000
D_FEAT = 128
HIDDEN = 128
N_EDGES = 320000


def setup_inputs(seed: int = 0) -> dict:
    key = jax.random.key(seed)
    ks = jax.random.split(key, 8)
    x = jax.random.normal(ks[0], (N_NODES, D_FEAT), dtype=jnp.float32)
    edge_index = jax.random.randint(ks[1], (2, N_EDGES), 0, N_NODES, dtype=jnp.int64)
    s1 = 1.0 / np.sqrt(D_FEAT)
    s2 = 1.0 / np.sqrt(HIDDEN)
    W1 = jax.random.uniform(ks[2], (D_FEAT, HIDDEN), jnp.float32, -s1, s1)
    b1 = jnp.zeros((HIDDEN,), jnp.float32)
    W2 = jax.random.uniform(ks[3], (HIDDEN, HIDDEN), jnp.float32, -s2, s2)
    b2 = jnp.zeros((HIDDEN,), jnp.float32)
    Wfc = jax.random.uniform(ks[4], (HIDDEN, 1), jnp.float32, -s2, s2)
    bfc = jax.random.uniform(ks[5], (1,), jnp.float32, -s2, s2)
    return {"x": x, "edge_index": edge_index, "W1": W1, "b1": b1, "W2": W2, "b2": b2, "Wfc": Wfc, "bfc": bfc}


def _gcn_conv(x, src, dst, W, b, num_nodes):
    # x' = D^{-1/2} (A + I) D^{-1/2} X W + b   (PyG GCNConv with self-loops)
    xw = x @ W
    deg = jax.ops.segment_sum(jnp.ones_like(dst, dtype=xw.dtype), dst, num_segments=num_nodes)
    dinv = jnp.where(deg > 0, deg ** -0.5, 0.0)
    norm = dinv[src] * dinv[dst]
    msg = xw[src] * norm[:, None]
    out = jax.ops.segment_sum(msg, dst, num_segments=num_nodes)
    return out + b


def reference(x, edge_index, W1, b1, W2, b2, Wfc, bfc):
    num_nodes = x.shape[0]
    loops = jnp.arange(num_nodes, dtype=edge_index.dtype)
    ei = jnp.concatenate([edge_index, jnp.stack([loops, loops])], axis=1)
    src, dst = ei[0], ei[1]
    h = jax.nn.relu(_gcn_conv(x, src, dst, W1, b1, num_nodes))
    h = jax.nn.relu(_gcn_conv(h, src, dst, W2, b2, num_nodes))
    return h @ Wfc + bfc

if __name__ == "__main__":
    import jax
    _d = setup_inputs()
    print(jax.jit(kernel)(*tuple(_d.values())))

</pallas_src>

<mosaic_0001>
#map = affine_map<(d0, d1) -> (0, 0)>
#map1 = affine_map<(d0, d1) -> (0)>
#map2 = affine_map<(d0, d1) -> (0, 0, 0)>
module attributes {stable_mosaic.version = 14 : i64} {
  func.func @_sc_scatter(%arg0: i32, %arg1: i32, %arg2: memref<10240x128xf32, #tpu.memory_space<hbm>>, %arg3: memref<323584xi32, #tpu.memory_space<hbm>>, %arg4: memref<323584xi32, #tpu.memory_space<hbm>>, %arg5: memref<640x128xf32, #tpu.memory_space<hbm>>, %arg6: memref<2x10240x128xf32, #tpu.memory_space<hbm>>, %arg7: memref<10240x128xf32, #tpu.memory_space<vmem_shared>>, %arg8: memref<128x128xf32, #tpu.memory_space<vmem>>, %arg9: memref<128x128xf32, #tpu.memory_space<vmem>>, %arg10: memref<128xi32, #tpu.memory_space<vmem>>, %arg11: memref<128xi32, #tpu.memory_space<vmem>>, %arg12: memref<128xi32, #tpu.memory_space<vmem>>, %arg13: memref<128xi32, #tpu.memory_space<vmem>>, %arg14: memref<!tpu.dma_semaphore, #tpu.memory_space<semaphore_mem>>, %arg15: memref<!tpu.dma_semaphore, #tpu.memory_space<semaphore_mem>>, %arg16: memref<!tpu.dma_semaphore, #tpu.memory_space<semaphore_mem>>) attributes {dimension_semantics = [#tpu.dimension_semantics<core_parallel>, #tpu.dimension_semantics<subcore_parallel>], iteration_bounds = array<i64: 2, 16>, scalar_prefetch = 0 : i64, scratch_operands = 10 : i64, tpu.core_type = #tpu.core_type<sc_vector_subcore>, window_params = [{transform_indices = #map}, {transform_indices = #map1}, {transform_indices = #map1}, {transform_indices = #map}, {transform_indices = #map2}]} {
    %mul3A = arith.constant 16 : i32
    %mul3A_0 = arith.muli %arg0, %mul3A : i32
    %add3A = arith.addi %mul3A_0, %arg1 : i32
    %mul3A_1 = arith.constant 640 : i32
    %mul3A_2 = arith.muli %arg1, %mul3A_1 : i32
    "tpu.region"() ({
      %run_scoped3A = tpu.sem_alloc : memref<!tpu.dma_semaphore, #tpu.memory_space<semaphore_mem>>
      %dma_start3A = arith.constant 0 : i32
      %dma_start3A_19 = tpu.memref_slice %arg7[%mul3A_2, %dma_start3A] : memref<10240x128xf32, #tpu.memory_space<vmem_shared>> -> memref<640x128xf32, #tpu.memory_space<vmem_shared>>
      tpu.enqueue_dma source(%arg5 : memref<640x128xf32, #tpu.memory_space<hbm>>) target(%dma_start3A_19 : memref<640x128xf32, #tpu.memory_space<vmem_shared>>) target_semaphore(%run_scoped3A : memref<!tpu.dma_semaphore, #tpu.memory_space<semaphore_mem>>)
      %dma_wait3A_20 = arith.constant 0 : i32
      %dma_wait3A_21 = tpu.memref_slice %arg7[%mul3A_2, %dma_wait3A_20] : memref<10240x128xf32, #tpu.memory_space<vmem_shared>> -> memref<640x128xf32, #tpu.memory_space<vmem_shared>>
      tpu.wait_dma2 semaphore(%run_scoped3A : memref<!tpu.dma_semaphore, #tpu.memory_space<semaphore_mem>>) src(%arg5 : memref<640x128xf32, #tpu.memory_space<hbm>>) dst(%dma_wait3A_21 : memref<640x128xf32, #tpu.memory_space<vmem_shared>>)
      tpu.yield
    }) : () -> ()
    %barrier3A = arith.constant 0 : index
    tpu.barrier barrier_id(%barrier3A)
    %scan3A = arith.constant 0 : i32
    %scan3A_3 = arith.constant 0 : i32
    %scan3A_4 = arith.constant 39 : i32
    %scan3A_5 = arith.addi %scan3A_3, %scan3A_4 : i32
    %scan3A_6 = arith.constant 1 : i32
    scf.for %scan3A_19 = %scan3A_3 to %scan3A_5 step %scan3A_6  : i32 {
      %mul3A_20 = arith.constant 10112 : i32
      %mul3A_21 = arith.muli %add3A, %mul3A_20 : i32
      %mul3A_22 = arith.constant 256 : i32
      %mul3A_23 = arith.muli %scan3A_19, %mul3A_22 : i32
      %add3A_24 = arith.addi %mul3A_21, %mul3A_23 : i32
      %dma_start3A = tpu.memref_slice %arg3[%add3A_24] : memref<323584xi32, #tpu.memory_space<hbm>> -> memref<128xi32, #tpu.memory_space<hbm>>
      %dma_start3A_25 = tpu.memref_slice %arg3[%add3A_24] : memref<323584xi32, #tpu.memory_space<hbm>> -> memref<128xi32, #tpu.memory_space<hbm>>
      tpu.enqueue_dma source(%dma_start3A_25 : memref<128xi32, #tpu.memory_space<hbm>>) target(%arg10 : memref<128xi32, #tpu.memory_space<vmem>>) target_semaphore(%arg16 : memref<!tpu.dma_semaphore, #tpu.memory_space<semaphore_mem>>)
      %dma_start3A_26 = tpu.memref_slice %arg4[%add3A_24] : memref<323584xi32, #tpu.memory_space<hbm>> -> memref<128xi32, #tpu.memory_space<hbm>>
      %dma_start3A_27 = tpu.memref_slice %arg4[%add3A_24] : memref<323584xi32, #tpu.memory_space<hbm>> -> memref<128xi32, #tpu.memory_space<hbm>>
      tpu.enqueue_dma source(%dma_start3A_27 : memref<128xi32, #tpu.memory_space<hbm>>) target(%arg12 : memref<128xi32, #tpu.memory_space<vmem>>) target_semaphore(%arg16 : memref<!tpu.dma_semaphore, #tpu.memory_space<semaphore_mem>>)
      %dma_wait3A_28 = tpu.memref_slice %arg3[%add3A_24] : memref<323584xi32, #tpu.memory_space<hbm>> -> memref<128xi32, #tpu.memory_space<hbm>>
      %dma_wait3A_29 = tpu.memref_slice %arg3[%add3A_24] : memref<323584xi32, #tpu.memory_space<hbm>> -> memref<128xi32, #tpu.memory_space<hbm>>
      tpu.wait_dma2 semaphore(%arg16 : memref<!tpu.dma_semaphore, #tpu.memory_space<semaphore_mem>>) src(%dma_wait3A_29 : memref<128xi32, #tpu.memory_space<hbm>>) dst(%arg10 : memref<128xi32, #tpu.memory_space<vmem>>)
      %dma_wait3A_30 = tpu.memref_slice %arg4[%add3A_24] : memref<323584xi32, #tpu.memory_space<hbm>> -> memref<128xi32, #tpu.memory_space<hbm>>
      %dma_wait3A_31 = tpu.memref_slice %arg4[%add3A_24] : memref<323584xi32, #tpu.memory_space<hbm>> -> memref<128xi32, #tpu.memory_space<hbm>>
      tpu.wait_dma2 semaphore(%arg16 : memref<!tpu.dma_semaphore, #tpu.memory_space<semaphore_mem>>) src(%dma_wait3A_31 : memref<128xi32, #tpu.memory_space<hbm>>) dst(%arg12 : memref<128xi32, #tpu.memory_space<vmem>>)
      %dma_start3A_32 = arith.constant 0 : i32
      %dma_start3A_33 = arith.constant 0 : i32
      %dma_start3A_34 = tpu.memref_slice %arg2[%dma_start3A_32, %dma_start3A_33] : memref<10240x128xf32, #tpu.memory_space<hbm>> -> memref<10240x128xf32, #tpu.memory_space<hbm>>
      tpu.enqueue_indirect_dma source(%dma_start3A_34 : memref<10240x128xf32, #tpu.memory_space<hbm>>) target(%arg8 : memref<128x128xf32, #tpu.memory_space<vmem>>) offsets(%arg10 : memref<128xi32, #tpu.memory_space<vmem>>) semaphore(%arg14 : memref<!tpu.dma_semaphore, #tpu.memory_space<semaphore_mem>>)
      %gt3A = arith.constant 0 : i32
      %gt3A_35 = arith.cmpi sgt, %scan3A_19, %gt3A : i32
      %convert_element_type3A = arith.extui %gt3A_35 : i1 to i32
      %cond3A = arith.constant 0 : i32
      %cond3A_36 = arith.cmpi ne, %convert_element_type3A, %cond3A : i32
      scf.if %cond3A_36 {
        %dma_wait3A_67 = arith.constant 0 : i32
        %dma_wait3A_68 = arith.constant 0 : i32
        %dma_wait3A_69 = tpu.memref_slice %arg7[%dma_wait3A_67, %dma_wait3A_68] : memref<10240x128xf32, #tpu.memory_space<vmem_shared>> -> memref<10240x128xf32, #tpu.memory_space<vmem_shared>>
        tpu.wait_indirect_dma semaphore(%arg15 : memref<!tpu.dma_semaphore, #tpu.memory_space<semaphore_mem>>) src(%arg9 : memref<128x128xf32, #tpu.memory_space<vmem>>) dst(%dma_wait3A_69 : memref<10240x128xf32, #tpu.memory_space<vmem_shared>>)
      } else {
      }
      %add3A_37 = arith.constant 128 : i32
      %add3A_38 = arith.addi %add3A_24, %add3A_37 : i32
      %dma_start3A_39 = tpu.memref_slice %arg3[%add3A_38] : memref<323584xi32, #tpu.memory_space<hbm>> -> memref<128xi32, #tpu.memory_space<hbm>>
      %dma_start3A_40 = tpu.memref_slice %arg3[%add3A_38] : memref<323584xi32, #tpu.memory_space<hbm>> -> memref<128xi32, #tpu.memory_space<hbm>>
      tpu.enqueue_dma source(%dma_start3A_40 : memref<128xi32, #tpu.memory_space<hbm>>) target(%arg11 : memref<128xi32, #tpu.memory_space<vmem>>) target_semaphore(%arg16 : memref<!tpu.dma_semaphore, #tpu.memory_space<semaphore_mem>>)
      %add3A_41 = arith.constant 128 : i32
      %add3A_42 = arith.addi %add3A_24, %add3A_41 : i32
      %dma_start3A_43 = tpu.memref_slice %arg4[%add3A_42] : memref<323584xi32, #tpu.memory_space<hbm>> -> memref<128xi32, #tpu.memory_space<hbm>>
      %dma_start3A_44 = tpu.memref_slice %arg4[%add3A_42] : memref<323584xi32, #tpu.memory_space<hbm>> -> memref<128xi32, #tpu.memory_space<hbm>>
      tpu.enqueue_dma source(%dma_start3A_44 : memref<128xi32, #tpu.memory_space<hbm>>) target(%arg13 : memref<128xi32, #tpu.memory_space<vmem>>) target_semaphore(%arg16 : memref<!tpu.dma_semaphore, #tpu.memory_space<semaphore_mem>>)
      %dma_wait3A_45 = tpu.memref_slice %arg3[%add3A_38] : memref<323584xi32, #tpu.memory_space<hbm>> -> memref<128xi32, #tpu.memory_space<hbm>>
      %dma_wait3A_46 = tpu.memref_slice %arg3[%add3A_38] : memref<323584xi32, #tpu.memory_space<hbm>> -> memref<128xi32, #tpu.memory_space<hbm>>
      tpu.wait_dma2 semaphore(%arg16 : memref<!tpu.dma_semaphore, #tpu.memory_space<semaphore_mem>>) src(%dma_wait3A_46 : memref<128xi32, #tpu.memory_space<hbm>>) dst(%arg11 : memref<128xi32, #tpu.memory_space<vmem>>)
      %dma_wait3A_47 = tpu.memref_slice %arg4[%add3A_42] : memref<323584xi32, #tpu.memory_space<hbm>> -> memref<128xi32, #tpu.memory_space<hbm>>
      %dma_wait3A_48 = tpu.memref_slice %arg4[%add3A_42] : memref<323584xi32, #tpu.memory_space<hbm>> -> memref<128xi32, #tpu.memory_space<hbm>>
      tpu.wait_dma2 semaphore(%arg16 : memref<!tpu.dma_semaphore, #tpu.memory_space<semaphore_mem>>) src(%dma_wait3A_48 : memref<128xi32, #tpu.memory_space<hbm>>) dst(%arg13 : memref<128xi32, #tpu.memory_space<vmem>>)
      %dma_wait3A_49 = arith.constant 0 : i32
      %dma_wait3A_50 = arith.constant 0 : i32
      %dma_wait3A_51 = tpu.memref_slice %arg2[%dma_wait3A_49, %dma_wait3A_50] : memref<10240x128xf32, #tpu.memory_space<hbm>> -> memref<10240x128xf32, #tpu.memory_space<hbm>>
      tpu.wait_indirect_dma semaphore(%arg14 : memref<!tpu.dma_semaphore, #tpu.memory_space<semaphore_mem>>) src(%dma_wait3A_51 : memref<10240x128xf32, #tpu.memory_space<hbm>>) dst(%arg8 : memref<128x128xf32, #tpu.memory_space<vmem>>)
      %dma_start3A_52 = arith.constant 0 : i32
      %dma_start3A_53 = arith.constant 0 : i32
      %dma_start3A_54 = tpu.memref_slice %arg2[%dma_start3A_52, %dma_start3A_53] : memref<10240x128xf32, #tpu.memory_space<hbm>> -> memref<10240x128xf32, #tpu.memory_space<hbm>>
      tpu.enqueue_indirect_dma source(%dma_start3A_54 : memref<10240x128xf32, #tpu.memory_space<hbm>>) target(%arg9 : memref<128x128xf32, #tpu.memory_space<vmem>>) offsets(%arg11 : memref<128xi32, #tpu.memory_space<vmem>>) semaphore(%arg14 : memref<!tpu.dma_semaphore, #tpu.memory_space<semaphore_mem>>)
      %dma_start3A_55 = arith.constant 0 : i32
      %dma_start3A_56 = arith.constant 0 : i32
      %dma_start3A_57 = tpu.memref_slice %arg7[%dma_start3A_55, %dma_start3A_56] : memref<10240x128xf32, #tpu.memory_space<vmem_shared>> -> memref<10240x128xf32, #tpu.memory_space<vmem_shared>>
      tpu.enqueue_indirect_dma source(%arg8 : memref<128x128xf32, #tpu.memory_space<vmem>>) target(%dma_start3A_57 : memref<10240x128xf32, #tpu.memory_space<vmem_shared>>) offsets(%arg12 : memref<128xi32, #tpu.memory_space<vmem>>) semaphore(%arg15 : memref<!tpu.dma_semaphore, #tpu.memory_space<semaphore_mem>>) {add = true}
      %dma_wait3A_58 = arith.constant 0 : i32
      %dma_wait3A_59 = arith.constant 0 : i32
      %dma_wait3A_60 = tpu.memref_slice %arg2[%dma_wait3A_58, %dma_wait3A_59] : memref<10240x128xf32, #tpu.memory_space<hbm>> -> memref<10240x128xf32, #tpu.memory_space<hbm>>
      tpu.wait_indirect_dma semaphore(%arg14 : memref<!tpu.dma_semaphore, #tpu.memory_space<semaphore_mem>>) src(%dma_wait3A_60 : memref<10240x128xf32, #tpu.memory_space<hbm>>) dst(%arg9 : memref<128x128xf32, #tpu.memory_space<vmem>>)
      %dma_start3A_61 = arith.constant 0 : i32
      %dma_start3A_62 = arith.constant 0 : i32
      %dma_start3A_63 = tpu.memref_slice %arg7[%dma_start3A_61, %dma_start3A_62] : memref<10240x128xf32, #tpu.memory_space<vmem_shared>> -> memref<10240x128xf32, #tpu.memory_space<vmem_shared>>
      tpu.enqueue_indirect_dma source(%arg9 : memref<128x128xf32, #tpu.memory_space<vmem>>) target(%dma_start3A_63 : memref<10240x128xf32, #tpu.memory_space<vmem_shared>>) offsets(%arg13 : memref<128xi32, #tpu.memory_space<vmem>>) semaphore(%arg15 : memref<!tpu.dma_semaphore, #tpu.memory_space<semaphore_mem>>) {add = true}
      %dma_wait3A_64 = arith.constant 0 : i32
      %dma_wait3A_65 = arith.constant 0 : i32
      %dma_wait3A_66 = tpu.memref_slice %arg7[%dma_wait3A_64, %dma_wait3A_65] : memref<10240x128xf32, #tpu.memory_space<vmem_shared>> -> memref<10240x128xf32, #tpu.memory_space<vmem_shared>>
      tpu.wait_indirect_dma semaphore(%arg15 : memref<!tpu.dma_semaphore, #tpu.memory_space<semaphore_mem>>) src(%arg8 : memref<128x128xf32, #tpu.memory_space<vmem>>) dst(%dma_wait3A_66 : memref<10240x128xf32, #tpu.memory_space<vmem_shared>>)
    }
    %scan3A_7 = arith.constant 39 : i32
    %dma_wait3A = arith.constant 0 : i32
    %dma_wait3A_8 = arith.constant 0 : i32
    %dma_wait3A_9 = tpu.memref_slice %arg7[%dma_wait3A, %dma_wait3A_8] : memref<10240x128xf32, #tpu.memory_space<vmem_shared>> -> memref<10240x128xf32, #tpu.memory_space<vmem_shared>>
    tpu.wait_indirect_dma semaphore(%arg15 : memref<!tpu.dma_semaphore, #tpu.memory_space<semaphore_mem>>) src(%arg9 : memref<128x128xf32, #tpu.memory_space<vmem>>) dst(%dma_wait3A_9 : memref<10240x128xf32, #tpu.memory_space<vmem_shared>>)
    %mul3A_10 = arith.constant 10112 : i32
    %mul3A_11 = arith.muli %add3A, %mul3A_10 : i32
    %add3A_12 = arith.constant 9984 : i32
    %add3A_13 = arith.addi %mul3A_11, %add3A_12 : i32
    "tpu.region"() ({
      %run_scoped3A = tpu.sem_alloc : memref<!tpu.dma_semaphore, #tpu.memory_space<semaphore_mem>>
      %dma_start3A = tpu.memref_slice %arg3[%add3A_13] : memref<323584xi32, #tpu.memory_space<hbm>> -> memref<128xi32, #tpu.memory_space<hbm>>
      %dma_start3A_19 = tpu.memref_slice %arg3[%add3A_13] : memref<323584xi32, #tpu.memory_space<hbm>> -> memref<128xi32, #tpu.memory_space<hbm>>
      tpu.enqueue_dma source(%dma_start3A_19 : memref<128xi32, #tpu.memory_space<hbm>>) target(%arg10 : memref<128xi32, #tpu.memory_space<vmem>>) target_semaphore(%run_scoped3A : memref<!tpu.dma_semaphore, #tpu.memory_space<semaphore_mem>>)
      %dma_wait3A_20 = tpu.memref_slice %arg3[%add3A_13] : memref<323584xi32, #tpu.memory_space<hbm>> -> memref<128xi32, #tpu.memory_space<hbm>>
      %dma_wait3A_21 = tpu.memref_slice %arg3[%add3A_13] : memref<323584xi32, #tpu.memory_space<hbm>> -> memref<128xi32, #tpu.memory_space<hbm>>
      tpu.wait_dma2 semaphore(%run_scoped3A : memref<!tpu.dma_semaphore, #tpu.memory_space<semaphore_mem>>) src(%dma_wait3A_21 : memref<128xi32, #tpu.memory_space<hbm>>) dst(%arg10 : memref<128xi32, #tpu.memory_space<vmem>>)
      tpu.yield
    }) : () -> ()
    "tpu.region"() ({
      %run_scoped3A = tpu.sem_alloc : memref<!tpu.dma_semaphore, #tpu.memory_space<semaphore_mem>>
      %dma_start3A = tpu.memref_slice %arg4[%add3A_13] : memref<323584xi32, #tpu.memory_space<hbm>> -> memref<128xi32, #tpu.memory_space<hbm>>
      %dma_start3A_19 = tpu.memref_slice %arg4[%add3A_13] : memref<323584xi32, #tpu.memory_space<hbm>> -> memref<128xi32, #tpu.memory_space<hbm>>
      tpu.enqueue_dma source(%dma_start3A_19 : memref<128xi32, #tpu.memory_space<hbm>>) target(%arg12 : memref<128xi32, #tpu.memory_space<vmem>>) target_semaphore(%run_scoped3A : memref<!tpu.dma_semaphore, #tpu.memory_space<semaphore_mem>>)
      %dma_wait3A_20 = tpu.memref_slice %arg4[%add3A_13] : memref<323584xi32, #tpu.memory_space<hbm>> -> memref<128xi32, #tpu.memory_space<hbm>>
      %dma_wait3A_21 = tpu.memref_slice %arg4[%add3A_13] : memref<323584xi32, #tpu.memory_space<hbm>> -> memref<128xi32, #tpu.memory_space<hbm>>
      tpu.wait_dma2 semaphore(%run_scoped3A : memref<!tpu.dma_semaphore, #tpu.memory_space<semaphore_mem>>) src(%dma_wait3A_21 : memref<128xi32, #tpu.memory_space<hbm>>) dst(%arg12 : memref<128xi32, #tpu.memory_space<vmem>>)
      tpu.yield
    }) : () -> ()
    "tpu.region"() ({
      %run_scoped3A = tpu.sem_alloc : memref<!tpu.dma_semaphore, #tpu.memory_space<semaphore_mem>>
      %dma_start3A = arith.constant 0 : i32
      %dma_start3A_19 = arith.constant 0 : i32
      %dma_start3A_20 = tpu.memref_slice %arg2[%dma_start3A, %dma_start3A_19] : memref<10240x128xf32, #tpu.memory_space<hbm>> -> memref<10240x128xf32, #tpu.memory_space<hbm>>
      tpu.enqueue_indirect_dma source(%dma_start3A_20 : memref<10240x128xf32, #tpu.memory_space<hbm>>) target(%arg8 : memref<128x128xf32, #tpu.memory_space<vmem>>) offsets(%arg10 : memref<128xi32, #tpu.memory_space<vmem>>) semaphore(%run_scoped3A : memref<!tpu.dma_semaphore, #tpu.memory_space<semaphore_mem>>)
      %dma_wait3A_21 = arith.constant 0 : i32
      %dma_wait3A_22 = arith.constant 0 : i32
      %dma_wait3A_23 = tpu.memref_slice %arg2[%dma_wait3A_21, %dma_wait3A_22] : memref<10240x128xf32, #tpu.memory_space<hbm>> -> memref<10240x128xf32, #tpu.memory_space<hbm>>
      tpu.wait_indirect_dma semaphore(%run_scoped3A : memref<!tpu.dma_semaphore, #tpu.memory_space<semaphore_mem>>) src(%dma_wait3A_23 : memref<10240x128xf32, #tpu.memory_space<hbm>>) dst(%arg8 : memref<128x128xf32, #tpu.memory_space<vmem>>)
      tpu.yield
    }) : () -> ()
    "tpu.region"() ({
      %run_scoped3A = tpu.sem_alloc : memref<!tpu.dma_semaphore, #tpu.memory_space<semaphore_mem>>
      %dma_start3A = arith.constant 0 : i32
      %dma_start3A_19 = arith.constant 0 : i32
      %dma_start3A_20 = tpu.memref_slice %arg7[%dma_start3A, %dma_start3A_19] : memref<10240x128xf32, #tpu.memory_space<vmem_shared>> -> memref<10240x128xf32, #tpu.memory_space<vmem_shared>>
      tpu.enqueue_indirect_dma source(%arg8 : memref<128x128xf32, #tpu.memory_space<vmem>>) target(%dma_start3A_20 : memref<10240x128xf32, #tpu.memory_space<vmem_shared>>) offsets(%arg12 : memref<128xi32, #tpu.memory_space<vmem>>) semaphore(%run_scoped3A : memref<!tpu.dma_semaphore, #tpu.memory_space<semaphore_mem>>) {add = true}
      %dma_wait3A_21 = arith.constant 0 : i32
      %dma_wait3A_22 = arith.constant 0 : i32
      %dma_wait3A_23 = tpu.memref_slice %arg7[%dma_wait3A_21, %dma_wait3A_22] : memref<10240x128xf32, #tpu.memory_space<vmem_shared>> -> memref<10240x128xf32, #tpu.memory_space<vmem_shared>>
      tpu.wait_indirect_dma semaphore(%run_scoped3A : memref<!tpu.dma_semaphore, #tpu.memory_space<semaphore_mem>>) src(%arg8 : memref<128x128xf32, #tpu.memory_space<vmem>>) dst(%dma_wait3A_23 : memref<10240x128xf32, #tpu.memory_space<vmem_shared>>)
      tpu.yield
    }) : () -> ()
    %barrier3A_14 = arith.constant 0 : index
    tpu.barrier barrier_id(%barrier3A_14)
    %mul3A_15 = arith.constant 640 : i32
    %mul3A_16 = arith.muli %arg1, %mul3A_15 : i32
    %mul3A_17 = arith.constant 640 : i32
    %mul3A_18 = arith.muli %arg1, %mul3A_17 : i32
    "tpu.region"() ({
      %run_scoped3A = tpu.sem_alloc : memref<!tpu.dma_semaphore, #tpu.memory_space<semaphore_mem>>
      %dma_start3A = arith.constant 0 : i32
      %dma_start3A_19 = tpu.memref_slice %arg6[%arg0, %mul3A_18, %dma_start3A] : memref<2x10240x128xf32, #tpu.memory_space<hbm>> -> memref<1x640x128xf32, #tpu.memory_space<hbm>>
      %dma_start3A_20 = tpu.memref_squeeze %dma_start3A_19 : memref<1x640x128xf32, #tpu.memory_space<hbm>> -> memref<640x128xf32, #tpu.memory_space<hbm>>
      %dma_start3A_21 = arith.constant 0 : i32
      %dma_start3A_22 = tpu.memref_slice %arg7[%mul3A_16, %dma_start3A_21] : memref<10240x128xf32, #tpu.memory_space<vmem_shared>> -> memref<640x128xf32, #tpu.memory_space<vmem_shared>>
      tpu.enqueue_dma source(%dma_start3A_22 : memref<640x128xf32, #tpu.memory_space<vmem_shared>>) target(%dma_start3A_20 : memref<640x128xf32, #tpu.memory_space<hbm>>) target_semaphore(%run_scoped3A : memref<!tpu.dma_semaphore, #tpu.memory_space<semaphore_mem>>)
      %dma_wait3A_23 = arith.constant 0 : i32
      %dma_wait3A_24 = tpu.memref_slice %arg6[%arg0, %mul3A_18, %dma_wait3A_23] : memref<2x10240x128xf32, #tpu.memory_space<hbm>> -> memref<1x640x128xf32, #tpu.memory_space<hbm>>
      %dma_wait3A_25 = tpu.memref_squeeze %dma_wait3A_24 : memref<1x640x128xf32, #tpu.memory_space<hbm>> -> memref<640x128xf32, #tpu.memory_space<hbm>>
      %dma_wait3A_26 = arith.constant 0 : i32
      %dma_wait3A_27 = tpu.memref_slice %arg7[%mul3A_16, %dma_wait3A_26] : memref<10240x128xf32, #tpu.memory_space<vmem_shared>> -> memref<640x128xf32, #tpu.memory_space<vmem_shared>>
      tpu.wait_dma2 semaphore(%run_scoped3A : memref<!tpu.dma_semaphore, #tpu.memory_space<semaphore_mem>>) src(%dma_wait3A_27 : memref<640x128xf32, #tpu.memory_space<vmem_shared>>) dst(%dma_wait3A_25 : memref<640x128xf32, #tpu.memory_space<hbm>>)
      tpu.yield
    }) : () -> ()
    return
  }
}

#map = affine_map<(d0, d1) -> (0)>
#map1 = affine_map<(d0, d1) -> (0, 0)>
#map2 = affine_map<(d0, d1) -> (0, 0, 0)>
module attributes {stable_mosaic.version = 14 : i64} {
  func.func @_sc_deg(%arg0: i32, %arg1: i32, %arg2: memref<323584xi32, #tpu.memory_space<hbm>>, %arg3: memref<640x128xf32, #tpu.memory_space<hbm>>, %arg4: memref<128x128xf32, #tpu.memory_space<hbm>>, %arg5: memref<2x10240x128xf32, #tpu.memory_space<hbm>>, %arg6: memref<10240x128xf32, #tpu.memory_space<vmem_shared>>, %arg7: memref<128x128xf32, #tpu.memory_space<vmem>>, %arg8: memref<128xi32, #tpu.memory_space<vmem>>, %arg9: memref<128xi32, #tpu.memory_space<vmem>>, %arg10: memref<128xi32, #tpu.memory_space<vmem>>, %arg11: memref<128xi32, #tpu.memory_space<vmem>>, %arg12: memref<!tpu.dma_semaphore, #tpu.memory_space<semaphore_mem>>) attributes {dimension_semantics = [#tpu.dimension_semantics<core_parallel>, #tpu.dimension_semantics<subcore_parallel>], iteration_bounds = array<i64: 2, 16>, scalar_prefetch = 0 : i64, scratch_operands = 7 : i64, tpu.core_type = #tpu.core_type<sc_vector_subcore>, window_params = [{transform_indices = #map}, {transform_indices = #map1}, {transform_indices = #map1}, {transform_indices = #map2}]} {
    %mul3A = arith.constant 16 : i32
    %mul3A_0 = arith.muli %arg0, %mul3A : i32
    %add3A = arith.addi %mul3A_0, %arg1 : i32
    %mul3A_1 = arith.constant 640 : i32
    %mul3A_2 = arith.muli %arg1, %mul3A_1 : i32
    "tpu.region"() ({
      %run_scoped3A = tpu.sem_alloc : memref<!tpu.dma_semaphore, #tpu.memory_space<semaphore_mem>>
      %dma_start3A = arith.constant 0 : i32
      %dma_start3A_25 = tpu.memref_slice %arg6[%mul3A_2, %dma_start3A] : memref<10240x128xf32, #tpu.memory_space<vmem_shared>> -> memref<640x128xf32, #tpu.memory_space<vmem_shared>>
      tpu.enqueue_dma source(%arg3 : memref<640x128xf32, #tpu.memory_space<hbm>>) target(%dma_start3A_25 : memref<640x128xf32, #tpu.memory_space<vmem_shared>>) target_semaphore(%run_scoped3A : memref<!tpu.dma_semaphore, #tpu.memory_space<semaphore_mem>>)
      %dma_wait3A = arith.constant 0 : i32
      %dma_wait3A_26 = tpu.memref_slice %arg6[%mul3A_2, %dma_wait3A] : memref<10240x128xf32, #tpu.memory_space<vmem_shared>> -> memref<640x128xf32, #tpu.memory_space<vmem_shared>>
      tpu.wait_dma2 semaphore(%run_scoped3A : memref<!tpu.dma_semaphore, #tpu.memory_space<semaphore_mem>>) src(%arg3 : memref<640x128xf32, #tpu.memory_space<hbm>>) dst(%dma_wait3A_26 : memref<640x128xf32, #tpu.memory_space<vmem_shared>>)
      tpu.yield
    }) : () -> ()
    "tpu.region"() ({
      %run_scoped3A = tpu.sem_alloc : memref<!tpu.dma_semaphore, #tpu.memory_space<semaphore_mem>>
      tpu.enqueue_dma source(%arg4 : memref<128x128xf32, #tpu.memory_space<hbm>>) target(%arg7 : memref<128x128xf32, #tpu.memory_space<vmem>>) target_semaphore(%run_scoped3A : memref<!tpu.dma_semaphore, #tpu.memory_space<semaphore_mem>>)
      tpu.wait_dma2 semaphore(%run_scoped3A : memref<!tpu.dma_semaphore, #tpu.memory_space<semaphore_mem>>) src(%arg4 : memref<128x128xf32, #tpu.memory_space<hbm>>) dst(%arg7 : memref<128x128xf32, #tpu.memory_space<vmem>>)
      tpu.yield
    }) : () -> ()
    %barrier3A = arith.constant 0 : index
    tpu.barrier barrier_id(%barrier3A)
    %scan3A = arith.constant 0 : i32
    %scan3A_3 = arith.constant 0 : i32
    %scan3A_4 = arith.constant 19 : i32
    %scan3A_5 = arith.addi %scan3A_3, %scan3A_4 : i32
    %scan3A_6 = arith.constant 1 : i32
    scf.for %scan3A_25 = %scan3A_3 to %scan3A_5 step %scan3A_6  : i32 {
      %mul3A_26 = arith.constant 10112 : i32
      %mul3A_27 = arith.muli %add3A, %mul3A_26 : i32
      %mul3A_28 = arith.constant 512 : i32
      %mul3A_29 = arith.muli %scan3A_25, %mul3A_28 : i32
      %add3A_30 = arith.addi %mul3A_27, %mul3A_29 : i32
      %add3A_31 = arith.constant 0 : i32
      %add3A_32 = arith.addi %add3A_30, %add3A_31 : i32
      "tpu.region"() ({
        %run_scoped3A = tpu.sem_alloc : memref<!tpu.dma_semaphore, #tpu.memory_space<semaphore_mem>>
        %dma_start3A_61 = tpu.memref_slice %arg2[%add3A_32] : memref<323584xi32, #tpu.memory_space<hbm>> -> memref<128xi32, #tpu.memory_space<hbm>>
        %dma_start3A_62 = tpu.memref_slice %arg2[%add3A_32] : memref<323584xi32, #tpu.memory_space<hbm>> -> memref<128xi32, #tpu.memory_space<hbm>>
        tpu.enqueue_dma source(%dma_start3A_62 : memref<128xi32, #tpu.memory_space<hbm>>) target(%arg8 : memref<128xi32, #tpu.memory_space<vmem>>) target_semaphore(%run_scoped3A : memref<!tpu.dma_semaphore, #tpu.memory_space<semaphore_mem>>)
        %dma_wait3A_63 = tpu.memref_slice %arg2[%add3A_32] : memref<323584xi32, #tpu.memory_space<hbm>> -> memref<128xi32, #tpu.memory_space<hbm>>
        %dma_wait3A_64 = tpu.memref_slice %arg2[%add3A_32] : memref<323584xi32, #tpu.memory_space<hbm>> -> memref<128xi32, #tpu.memory_space<hbm>>
        tpu.wait_dma2 semaphore(%run_scoped3A : memref<!tpu.dma_semaphore, #tpu.memory_space<semaphore_mem>>) src(%dma_wait3A_64 : memref<128xi32, #tpu.memory_space<hbm>>) dst(%arg8 : memref<128xi32, #tpu.memory_space<vmem>>)
        tpu.yield
      }) : () -> ()
      %dma_start3A = arith.constant 0 : i32
      %dma_start3A_33 = arith.constant 0 : i32
      %dma_start3A_34 = tpu.memref_slice %arg6[%dma_start3A, %dma_start3A_33] : memref<10240x128xf32, #tpu.memory_space<vmem_shared>> -> memref<10240x128xf32, #tpu.memory_space<vmem_shared>>
      tpu.enqueue_indirect_dma source(%arg7 : memref<128x128xf32, #tpu.memory_space<vmem>>) target(%dma_start3A_34 : memref<10240x128xf32, #tpu.memory_space<vmem_shared>>) offsets(%arg8 : memref<128xi32, #tpu.memory_space<vmem>>) semaphore(%arg12 : memref<!tpu.dma_semaphore, #tpu.memory_space<semaphore_mem>>) {add = true}
      %add3A_35 = arith.constant 128 : i32
      %add3A_36 = arith.addi %add3A_30, %add3A_35 : i32
      "tpu.region"() ({
        %run_scoped3A = tpu.sem_alloc : memref<!tpu.dma_semaphore, #tpu.memory_space<semaphore_mem>>
        %dma_start3A_61 = tpu.memref_slice %arg2[%add3A_36] : memref<323584xi32, #tpu.memory_space<hbm>> -> memref<128xi32, #tpu.memory_space<hbm>>
        %dma_start3A_62 = tpu.memref_slice %arg2[%add3A_36] : memref<323584xi32, #tpu.memory_space<hbm>> -> memref<128xi32, #tpu.memory_space<hbm>>
        tpu.enqueue_dma source(%dma_start3A_62 : memref<128xi32, #tpu.memory_space<hbm>>) target(%arg9 : memref<128xi32, #tpu.memory_space<vmem>>) target_semaphore(%run_scoped3A : memref<!tpu.dma_semaphore, #tpu.memory_space<semaphore_mem>>)
        %dma_wait3A_63 = tpu.memref_slice %arg2[%add3A_36] : memref<323584xi32, #tpu.memory_space<hbm>> -> memref<128xi32, #tpu.memory_space<hbm>>
        %dma_wait3A_64 = tpu.memref_slice %arg2[%add3A_36] : memref<323584xi32, #tpu.memory_space<hbm>> -> memref<128xi32, #tpu.memory_space<hbm>>
        tpu.wait_dma2 semaphore(%run_scoped3A : memref<!tpu.dma_semaphore, #tpu.memory_space<semaphore_mem>>) src(%dma_wait3A_64 : memref<128xi32, #tpu.memory_space<hbm>>) dst(%arg9 : memref<128xi32, #tpu.memory_space<vmem>>)
        tpu.yield
      }) : () -> ()
      %dma_start3A_37 = arith.constant 0 : i32
      %dma_start3A_38 = arith.constant 0 : i32
      %dma_start3A_39 = tpu.memref_slice %arg6[%dma_start3A_37, %dma_start3A_38] : memref<10240x128xf32, #tpu.memory_space<vmem_shared>> -> memref<10240x128xf32, #tpu.memory_space<vmem_shared>>
      tpu.enqueue_indirect_dma source(%arg7 : memref<128x128xf32, #tpu.memory_space<vmem>>) target(%dma_start3A_39 : memref<10240x128xf32, #tpu.memory_space<vmem_shared>>) offsets(%arg9 : memref<128xi32, #tpu.memory_space<vmem>>) semaphore(%arg12 : memref<!tpu.dma_semaphore, #tpu.memory_space<semaphore_mem>>) {add = true}
      %add3A_40 = arith.constant 256 : i32
      %add3A_41 = arith.addi %add3A_30, %add3A_40 : i32
      "tpu.region"() ({
        %run_scoped3A = tpu.sem_alloc : memref<!tpu.dma_semaphore, #tpu.memory_space<semaphore_mem>>
        %dma_start3A_61 = tpu.memref_slice %arg2[%add3A_41] : memref<323584xi32, #tpu.memory_space<hbm>> -> memref<128xi32, #tpu.memory_space<hbm>>
        %dma_start3A_62 = tpu.memref_slice %arg2[%add3A_41] : memref<323584xi32, #tpu.memory_space<hbm>> -> memref<128xi32, #tpu.memory_space<hbm>>
        tpu.enqueue_dma source(%dma_start3A_62 : memref<128xi32, #tpu.memory_space<hbm>>) target(%arg10 : memref<128xi32, #tpu.memory_space<vmem>>) target_semaphore(%run_scoped3A : memref<!tpu.dma_semaphore, #tpu.memory_space<semaphore_mem>>)
        %dma_wait3A_63 = tpu.memref_slice %arg2[%add3A_41] : memref<323584xi32, #tpu.memory_space<hbm>> -> memref<128xi32, #tpu.memory_space<hbm>>
        %dma_wait3A_64 = tpu.memref_slice %arg2[%add3A_41] : memref<323584xi32, #tpu.memory_space<hbm>> -> memref<128xi32, #tpu.memory_space<hbm>>
        tpu.wait_dma2 semaphore(%run_scoped3A : memref<!tpu.dma_semaphore, #tpu.memory_space<semaphore_mem>>) src(%dma_wait3A_64 : memref<128xi32, #tpu.memory_space<hbm>>) dst(%arg10 : memref<128xi32, #tpu.memory_space<vmem>>)
        tpu.yield
      }) : () -> ()
      %dma_start3A_42 = arith.constant 0 : i32
      %dma_start3A_43 = arith.constant 0 : i32
      %dma_start3A_44 = tpu.memref_slice %arg6[%dma_start3A_42, %dma_start3A_43] : memref<10240x128xf32, #tpu.memory_space<vmem_shared>> -> memref<10240x128xf32, #tpu.memory_space<vmem_shared>>
      tpu.enqueue_indirect_dma source(%arg7 : memref<128x128xf32, #tpu.memory_space<vmem>>) target(%dma_start3A_44 : memref<10240x128xf32, #tpu.memory_space<vmem_shared>>) offsets(%arg10 : memref<128xi32, #tpu.memory_space<vmem>>) semaphore(%arg12 : memref<!tpu.dma_semaphore, #tpu.memory_space<semaphore_mem>>) {add = true}
      %add3A_45 = arith.constant 384 : i32
      %add3A_46 = arith.addi %add3A_30, %add3A_45 : i32
      "tpu.region"() ({
        %run_scoped3A = tpu.sem_alloc : memref<!tpu.dma_semaphore, #tpu.memory_space<semaphore_mem>>
        %dma_start3A_61 = tpu.memref_slice %arg2[%add3A_46] : memref<323584xi32, #tpu.memory_space<hbm>> -> memref<128xi32, #tpu.memory_space<hbm>>
        %dma_start3A_62 = tpu.memref_slice %arg2[%add3A_46] : memref<323584xi32, #tpu.memory_space<hbm>> -> memref<128xi32, #tpu.memory_space<hbm>>
        tpu.enqueue_dma source(%dma_start3A_62 : memref<128xi32, #tpu.memory_space<hbm>>) target(%arg11 : memref<128xi32, #tpu.memory_space<vmem>>) target_semaphore(%run_scoped3A : memref<!tpu.dma_semaphore, #tpu.memory_space<semaphore_mem>>)
        %dma_wait3A_63 = tpu.memref_slice %arg2[%add3A_46] : memref<323584xi32, #tpu.memory_space<hbm>> -> memref<128xi32, #tpu.memory_space<hbm>>
        %dma_wait3A_64 = tpu.memref_slice %arg2[%add3A_46] : memref<323584xi32, #tpu.memory_space<hbm>> -> memref<128xi32, #tpu.memory_space<hbm>>
        tpu.wait_dma2 semaphore(%run_scoped3A : memref<!tpu.dma_semaphore, #tpu.memory_space<semaphore_mem>>) src(%dma_wait3A_64 : memref<128xi32, #tpu.memory_space<hbm>>) dst(%arg11 : memref<128xi32, #tpu.memory_space<vmem>>)
        tpu.yield
      }) : () -> ()
      %dma_start3A_47 = arith.constant 0 : i32
      %dma_start3A_48 = arith.constant 0 : i32
      %dma_start3A_49 = tpu.memref_slice %arg6[%dma_start3A_47, %dma_start3A_48] : memref<10240x128xf32, #tpu.memory_space<vmem_shared>> -> memref<10240x128xf32, #tpu.memory_space<vmem_shared>>
      tpu.enqueue_indirect_dma source(%arg7 : memref<128x128xf32, #tpu.memory_space<vmem>>) target(%dma_start3A_49 : memref<10240x128xf32, #tpu.memory_space<vmem_shared>>) offsets(%arg11 : memref<128xi32, #tpu.memory_space<vmem>>) semaphore(%arg12 : memref<!tpu.dma_semaphore, #tpu.memory_space<semaphore_mem>>) {add = true}
      %dma_wait3A = arith.constant 0 : i32
      %dma_wait3A_50 = arith.constant 0 : i32
      %dma_wait3A_51 = tpu.memref_slice %arg6[%dma_wait3A, %dma_wait3A_50] : memref<10240x128xf32, #tpu.memory_space<vmem_shared>> -> memref<10240x128xf32, #tpu.memory_space<vmem_shared>>
      tpu.wait_indirect_dma semaphore(%arg12 : memref<!tpu.dma_semaphore, #tpu.memory_space<semaphore_mem>>) src(%arg7 : memref<128x128xf32, #tpu.memory_space<vmem>>) dst(%dma_wait3A_51 : memref<10240x128xf32, #tpu.memory_space<vmem_shared>>)
      %dma_wait3A_52 = arith.constant 0 : i32
      %dma_wait3A_53 = arith.constant 0 : i32
      %dma_wait3A_54 = tpu.memref_slice %arg6[%dma_wait3A_52, %dma_wait3A_53] : memref<10240x128xf32, #tpu.memory_space<vmem_shared>> -> memref<10240x128xf32, #tpu.memory_space<vmem_shared>>
      tpu.wait_indirect_dma semaphore(%arg12 : memref<!tpu.dma_semaphore, #tpu.memory_space<semaphore_mem>>) src(%arg7 : memref<128x128xf32, #tpu.memory_space<vmem>>) dst(%dma_wait3A_54 : memref<10240x128xf32, #tpu.memory_space<vmem_shared>>)
      %dma_wait3A_55 = arith.constant 0 : i32
      %dma_wait3A_56 = arith.constant 0 : i32
      %dma_wait3A_57 = tpu.memref_slice %arg6[%dma_wait3A_55, %dma_wait3A_56] : memref<10240x128xf32, #tpu.memory_space<vmem_shared>> -> memref<10240x128xf32, #tpu.memory_space<vmem_shared>>
      tpu.wait_indirect_dma semaphore(%arg12 : memref<!tpu.dma_semaphore, #tpu.memory_space<semaphore_mem>>) src(%arg7 : memref<128x128xf32, #tpu.memory_space<vmem>>) dst(%dma_wait3A_57 : memref<10240x128xf32, #tpu.memory_space<vmem_shared>>)
      %dma_wait3A_58 = arith.constant 0 : i32
      %dma_wait3A_59 = arith.constant 0 : i32
      %dma_wait3A_60 = tpu.memref_slice %arg6[%dma_wait3A_58, %dma_wait3A_59] : memref<10240x128xf32, #tpu.memory_space<vmem_shared>> -> memref<10240x128xf32, #tpu.memory_space<vmem_shared>>
      tpu.wait_indirect_dma semaphore(%arg12 : memref<!tpu.dma_semaphore, #tpu.memory_space<semaphore_mem>>) src(%arg7 : memref<128x128xf32, #tpu.memory_space<vmem>>) dst(%dma_wait3A_60 : memref<10240x128xf32, #tpu.memory_space<vmem_shared>>)
    }
    %scan3A_7 = arith.constant 19 : i32
    %mul3A_8 = arith.constant 10112 : i32
    %mul3A_9 = arith.muli %add3A, %mul3A_8 : i32
    %add3A_10 = arith.constant 9728 : i32
    %add3A_11 = arith.addi %mul3A_9, %add3A_10 : i32
    "tpu.region"() ({
      %run_scoped3A = tpu.sem_alloc : memref<!tpu.dma_semaphore, #tpu.memory_space<semaphore_mem>>
      %dma_start3A = tpu.memref_slice %arg2[%add3A_11] : memref<323584xi32, #tpu.memory_space<hbm>> -> memref<128xi32, #tpu.memory_space<hbm>>
      %dma_start3A_25 = tpu.memref_slice %arg2[%add3A_11] : memref<323584xi32, #tpu.memory_space<hbm>> -> memref<128xi32, #tpu.memory_space<hbm>>
      tpu.enqueue_dma source(%dma_start3A_25 : memref<128xi32, #tpu.memory_space<hbm>>) target(%arg8 : memref<128xi32, #tpu.memory_space<vmem>>) target_semaphore(%run_scoped3A : memref<!tpu.dma_semaphore, #tpu.memory_space<semaphore_mem>>)
      %dma_wait3A = tpu.memref_slice %arg2[%add3A_11] : memref<323584xi32, #tpu.memory_space<hbm>> -> memref<128xi32, #tpu.memory_space<hbm>>
      %dma_wait3A_26 = tpu.memref_slice %arg2[%add3A_11] : memref<323584xi32, #tpu.memory_space<hbm>> -> memref<128xi32, #tpu.memory_space<hbm>>
      tpu.wait_dma2 semaphore(%run_scoped3A : memref<!tpu.dma_semaphore, #tpu.memory_space<semaphore_mem>>) src(%dma_wait3A_26 : memref<128xi32, #tpu.memory_space<hbm>>) dst(%arg8 : memref<128xi32, #tpu.memory_space<vmem>>)
      tpu.yield
    }) : () -> ()
    "tpu.region"() ({
      %run_scoped3A = tpu.sem_alloc : memref<!tpu.dma_semaphore, #tpu.memory_space<semaphore_mem>>
      %dma_start3A = arith.constant 0 : i32
      %dma_start3A_25 = arith.constant 0 : i32
      %dma_start3A_26 = tpu.memref_slice %arg6[%dma_start3A, %dma_start3A_25] : memref<10240x128xf32, #tpu.memory_space<vmem_shared>> -> memref<10240x128xf32, #tpu.memory_space<vmem_shared>>
      tpu.enqueue_indirect_dma source(%arg7 : memref<128x128xf32, #tpu.memory_space<vmem>>) target(%dma_start3A_26 : memref<10240x128xf32, #tpu.memory_space<vmem_shared>>) offsets(%arg8 : memref<128xi32, #tpu.memory_space<vmem>>) semaphore(%run_scoped3A : memref<!tpu.dma_semaphore, #tpu.memory_space<semaphore_mem>>) {add = true}
      %dma_wait3A = arith.constant 0 : i32
      %dma_wait3A_27 = arith.constant 0 : i32
      %dma_wait3A_28 = tpu.memref_slice %arg6[%dma_wait3A, %dma_wait3A_27] : memref<10240x128xf32, #tpu.memory_space<vmem_shared>> -> memref<10240x128xf32, #tpu.memory_space<vmem_shared>>
      tpu.wait_indirect_dma semaphore(%run_scoped3A : memref<!tpu.dma_semaphore, #tpu.memory_space<semaphore_mem>>) src(%arg7 : memref<128x128xf32, #tpu.memory_space<vmem>>) dst(%dma_wait3A_28 : memref<10240x128xf32, #tpu.memory_space<vmem_shared>>)
      tpu.yield
    }) : () -> ()
    %mul3A_12 = arith.constant 10112 : i32
    %mul3A_13 = arith.muli %add3A, %mul3A_12 : i32
    %add3A_14 = arith.constant 9856 : i32
    %add3A_15 = arith.addi %mul3A_13, %add3A_14 : i32
    "tpu.region"() ({
      %run_scoped3A = tpu.sem_alloc : memref<!tpu.dma_semaphore, #tpu.memory_space<semaphore_mem>>
      %dma_start3A = tpu.memref_slice %arg2[%add3A_15] : memref<323584xi32, #tpu.memory_space<hbm>> -> memref<128xi32, #tpu.memory_space<hbm>>
      %dma_start3A_25 = tpu.memref_slice %arg2[%add3A_15] : memref<323584xi32, #tpu.memory_space<hbm>> -> memref<128xi32, #tpu.memory_space<hbm>>
      tpu.enqueue_dma source(%dma_start3A_25 : memref<128xi32, #tpu.memory_space<hbm>>) target(%arg8 : memref<128xi32, #tpu.memory_space<vmem>>) target_semaphore(%run_scoped3A : memref<!tpu.dma_semaphore, #tpu.memory_space<semaphore_mem>>)
      %dma_wait3A = tpu.memref_slice %arg2[%add3A_15] : memref<323584xi32, #tpu.memory_space<hbm>> -> memref<128xi32, #tpu.memory_space<hbm>>
      %dma_wait3A_26 = tpu.memref_slice %arg2[%add3A_15] : memref<323584xi32, #tpu.memory_space<hbm>> -> memref<128xi32, #tpu.memory_space<hbm>>
      tpu.wait_dma2 semaphore(%run_scoped3A : memref<!tpu.dma_semaphore, #tpu.memory_space<semaphore_mem>>) src(%dma_wait3A_26 : memref<128xi32, #tpu.memory_space<hbm>>) dst(%arg8 : memref<128xi32, #tpu.memory_space<vmem>>)
      tpu.yield
    }) : () -> ()
    "tpu.region"() ({
      %run_scoped3A = tpu.sem_alloc : memref<!tpu.dma_semaphore, #tpu.memory_space<semaphore_mem>>
      %dma_start3A = arith.constant 0 : i32
      %dma_start3A_25 = arith.constant 0 : i32
      %dma_start3A_26 = tpu.memref_slice %arg6[%dma_start3A, %dma_start3A_25] : memref<10240x128xf32, #tpu.memory_space<vmem_shared>> -> memref<10240x128xf32, #tpu.memory_space<vmem_shared>>
      tpu.enqueue_indirect_dma source(%arg7 : memref<128x128xf32, #tpu.memory_space<vmem>>) target(%dma_start3A_26 : memref<10240x128xf32, #tpu.memory_space<vmem_shared>>) offsets(%arg8 : memref<128xi32, #tpu.memory_space<vmem>>) semaphore(%run_scoped3A : memref<!tpu.dma_semaphore, #tpu.memory_space<semaphore_mem>>) {add = true}
      %dma_wait3A = arith.constant 0 : i32
      %dma_wait3A_27 = arith.constant 0 : i32
      %dma_wait3A_28 = tpu.memref_slice %arg6[%dma_wait3A, %dma_wait3A_27] : memref<10240x128xf32, #tpu.memory_space<vmem_shared>> -> memref<10240x128xf32, #tpu.memory_space<vmem_shared>>
      tpu.wait_indirect_dma semaphore(%run_scoped3A : memref<!tpu.dma_semaphore, #tpu.memory_space<semaphore_mem>>) src(%arg7 : memref<128x128xf32, #tpu.memory_space<vmem>>) dst(%dma_wait3A_28 : memref<10240x128xf32, #tpu.memory_space<vmem_shared>>)
      tpu.yield
    }) : () -> ()
    %mul3A_16 = arith.constant 10112 : i32
    %mul3A_17 = arith.muli %add3A, %mul3A_16 : i32
    %add3A_18 = arith.constant 9984 : i32
    %add3A_19 = arith.addi %mul3A_17, %add3A_18 : i32
    "tpu.region"() ({
      %run_scoped3A = tpu.sem_alloc : memref<!tpu.dma_semaphore, #tpu.memory_space<semaphore_mem>>
      %dma_start3A = tpu.memref_slice %arg2[%add3A_19] : memref<323584xi32, #tpu.memory_space<hbm>> -> memref<128xi32, #tpu.memory_space<hbm>>
      %dma_start3A_25 = tpu.memref_slice %arg2[%add3A_19] : memref<323584xi32, #tpu.memory_space<hbm>> -> memref<128xi32, #tpu.memory_space<hbm>>
      tpu.enqueue_dma source(%dma_start3A_25 : memref<128xi32, #tpu.memory_space<hbm>>) target(%arg8 : memref<128xi32, #tpu.memory_space<vmem>>) target_semaphore(%run_scoped3A : memref<!tpu.dma_semaphore, #tpu.memory_space<semaphore_mem>>)
      %dma_wait3A = tpu.memref_slice %arg2[%add3A_19] : memref<323584xi32, #tpu.memory_space<hbm>> -> memref<128xi32, #tpu.memory_space<hbm>>
      %dma_wait3A_26 = tpu.memref_slice %arg2[%add3A_19] : memref<323584xi32, #tpu.memory_space<hbm>> -> memref<128xi32, #tpu.memory_space<hbm>>
      tpu.wait_dma2 semaphore(%run_scoped3A : memref<!tpu.dma_semaphore, #tpu.memory_space<semaphore_mem>>) src(%dma_wait3A_26 : memref<128xi32, #tpu.memory_space<hbm>>) dst(%arg8 : memref<128xi32, #tpu.memory_space<vmem>>)
      tpu.yield
    }) : () -> ()
    "tpu.region"() ({
      %run_scoped3A = tpu.sem_alloc : memref<!tpu.dma_semaphore, #tpu.memory_space<semaphore_mem>>
      %dma_start3A = arith.constant 0 : i32
      %dma_start3A_25 = arith.constant 0 : i32
      %dma_start3A_26 = tpu.memref_slice %arg6[%dma_start3A, %dma_start3A_25] : memref<10240x128xf32, #tpu.memory_space<vmem_shared>> -> memref<10240x128xf32, #tpu.memory_space<vmem_shared>>
      tpu.enqueue_indirect_dma source(%arg7 : memref<128x128xf32, #tpu.memory_space<vmem>>) target(%dma_start3A_26 : memref<10240x128xf32, #tpu.memory_space<vmem_shared>>) offsets(%arg8 : memref<128xi32, #tpu.memory_space<vmem>>) semaphore(%run_scoped3A : memref<!tpu.dma_semaphore, #tpu.memory_space<semaphore_mem>>) {add = true}
      %dma_wait3A = arith.constant 0 : i32
      %dma_wait3A_27 = arith.constant 0 : i32
      %dma_wait3A_28 = tpu.memref_slice %arg6[%dma_wait3A, %dma_wait3A_27] : memref<10240x128xf32, #tpu.memory_space<vmem_shared>> -> memref<10240x128xf32, #tpu.memory_space<vmem_shared>>
      tpu.wait_indirect_dma semaphore(%run_scoped3A : memref<!tpu.dma_semaphore, #tpu.memory_space<semaphore_mem>>) src(%arg7 : memref<128x128xf32, #tpu.memory_space<vmem>>) dst(%dma_wait3A_28 : memref<10240x128xf32, #tpu.memory_space<vmem_shared>>)
      tpu.yield
    }) : () -> ()
    %barrier3A_20 = arith.constant 0 : index
    tpu.barrier barrier_id(%barrier3A_20)
    %mul3A_21 = arith.constant 640 : i32
    %mul3A_22 = arith.muli %arg1, %mul3A_21 : i32
    %mul3A_23 = arith.constant 640 : i32
    %mul3A_24 = arith.muli %arg1, %mul3A_23 : i32
    "tpu.region"() ({
      %run_scoped3A = tpu.sem_alloc : memref<!tpu.dma_semaphore, #tpu.memory_space<semaphore_mem>>
      %dma_start3A = arith.constant 0 : i32
      %dma_start3A_25 = tpu.memref_slice %arg5[%arg0, %mul3A_24, %dma_start3A] : memref<2x10240x128xf32, #tpu.memory_space<hbm>> -> memref<1x640x128xf32, #tpu.memory_space<hbm>>
      %dma_start3A_26 = tpu.memref_squeeze %dma_start3A_25 : memref<1x640x128xf32, #tpu.memory_space<hbm>> -> memref<640x128xf32, #tpu.memory_space<hbm>>
      %dma_start3A_27 = arith.constant 0 : i32
      %dma_start3A_28 = tpu.memref_slice %arg6[%mul3A_22, %dma_start3A_27] : memref<10240x128xf32, #tpu.memory_space<vmem_shared>> -> memref<640x128xf32, #tpu.memory_space<vmem_shared>>
      tpu.enqueue_dma source(%dma_start3A_28 : memref<640x128xf32, #tpu.memory_space<vmem_shared>>) target(%dma_start3A_26 : memref<640x128xf32, #tpu.memory_space<hbm>>) target_semaphore(%run_scoped3A : memref<!tpu.dma_semaphore, #tpu.memory_space<semaphore_mem>>)
      %dma_wait3A = arith.constant 0 : i32
      %dma_wait3A_29 = tpu.memref_slice %arg5[%arg0, %mul3A_24, %dma_wait3A] : memref<2x10240x128xf32, #tpu.memory_space<hbm>> -> memref<1x640x128xf32, #tpu.memory_space<hbm>>
      %dma_wait3A_30 = tpu.memref_squeeze %dma_wait3A_29 : memref<1x640x128xf32, #tpu.memory_space<hbm>> -> memref<640x128xf32, #tpu.memory_space<hbm>>
      %dma_wait3A_31 = arith.constant 0 : i32
      %dma_wait3A_32 = tpu.memref_slice %arg6[%mul3A_22, %dma_wait3A_31] : memref<10240x128xf32, #tpu.memory_space<vmem_shared>> -> memref<640x128xf32, #tpu.memory_space<vmem_shared>>
      tpu.wait_dma2 semaphore(%run_scoped3A : memref<!tpu.dma_semaphore, #tpu.memory_space<semaphore_mem>>) src(%dma_wait3A_32 : memref<640x128xf32, #tpu.memory_space<vmem_shared>>) dst(%dma_wait3A_30 : memref<640x128xf32, #tpu.memory_space<hbm>>)
      tpu.yield
    }) : () -> ()
    return
  }
}

#map = affine_map<(d0, d1) -> (0, 0)>
#map1 = affine_map<(d0, d1) -> (0)>
#map2 = affine_map<(d0, d1) -> (0, 0, 0)>
module attributes {stable_mosaic.version = 14 : i64} {
  func.func @_sc_scatter(%arg0: i32, %arg1: i32, %arg2: memref<10240x128xf32, #tpu.memory_space<hbm>>, %arg3: memref<323584xi32, #tpu.memory_space<hbm>>, %arg4: memref<323584xi32, #tpu.memory_space<hbm>>, %arg5: memref<640x128xf32, #tpu.memory_space<hbm>>, %arg6: memref<2x10240x128xf32, #tpu.memory_space<hbm>>, %arg7: memref<10240x128xf32, #tpu.memory_space<vmem_shared>>, %arg8: memref<128x128xf32, #tpu.memory_space<vmem>>, %arg9: memref<128x128xf32, #tpu.memory_space<vmem>>, %arg10: memref<128xi32, #tpu.memory_space<vmem>>, %arg11: memref<128xi32, #tpu.memory_space<vmem>>, %arg12: memref<128xi32, #tpu.memory_space<vmem>>, %arg13: memref<128xi32, #tpu.memory_space<vmem>>, %arg14: memref<!tpu.dma_semaphore, #tpu.memory_space<semaphore_mem>>, %arg15: memref<!tpu.dma_semaphore, #tpu.memory_space<semaphore_mem>>, %arg16: memref<!tpu.dma_semaphore, #tpu.memory_space<semaphore_mem>>) attributes {dimension_semantics = [#tpu.dimension_semantics<core_parallel>, #tpu.dimension_semantics<subcore_parallel>], iteration_bounds = array<i64: 2, 16>, scalar_prefetch = 0 : i64, scratch_operands = 10 : i64, tpu.core_type = #tpu.core_type<sc_vector_subcore>, window_params = [{transform_indices = #map}, {transform_indices = #map1}, {transform_indices = #map1}, {transform_indices = #map}, {transform_indices = #map2}]} {
    %mul3A = arith.constant 16 : i32
    %mul3A_0 = arith.muli %arg0, %mul3A : i32
    %add3A = arith.addi %mul3A_0, %arg1 : i32
    %mul3A_1 = arith.constant 640 : i32
    %mul3A_2 = arith.muli %arg1, %mul3A_1 : i32
    "tpu.region"() ({
      %run_scoped3A = tpu.sem_alloc : memref<!tpu.dma_semaphore, #tpu.memory_space<semaphore_mem>>
      %dma_start3A = arith.constant 0 : i32
      %dma_start3A_19 = tpu.memref_slice %arg7[%mul3A_2, %dma_start3A] : memref<10240x128xf32, #tpu.memory_space<vmem_shared>> -> memref<640x128xf32, #tpu.memory_space<vmem_shared>>
      tpu.enqueue_dma source(%arg5 : memref<640x128xf32, #tpu.memory_space<hbm>>) target(%dma_start3A_19 : memref<640x128xf32, #tpu.memory_space<vmem_shared>>) target_semaphore(%run_scoped3A : memref<!tpu.dma_semaphore, #tpu.memory_space<semaphore_mem>>)
      %dma_wait3A_20 = arith.constant 0 : i32
      %dma_wait3A_21 = tpu.memref_slice %arg7[%mul3A_2, %dma_wait3A_20] : memref<10240x128xf32, #tpu.memory_space<vmem_shared>> -> memref<640x128xf32, #tpu.memory_space<vmem_shared>>
      tpu.wait_dma2 semaphore(%run_scoped3A : memref<!tpu.dma_semaphore, #tpu.memory_space<semaphore_mem>>) src(%arg5 : memref<640x128xf32, #tpu.memory_space<hbm>>) dst(%dma_wait3A_21 : memref<640x128xf32, #tpu.memory_space<vmem_shared>>)
      tpu.yield
    }) : () -> ()
    %barrier3A = arith.constant 0 : index
    tpu.barrier barrier_id(%barrier3A)
    %scan3A = arith.constant 0 : i32
    %scan3A_3 = arith.constant 0 : i32
    %scan3A_4 = arith.constant 39 : i32
    %scan3A_5 = arith.addi %scan3A_3, %scan3A_4 : i32
    %scan3A_6 = arith.constant 1 : i32
    scf.for %scan3A_19 = %scan3A_3 to %scan3A_5 step %scan3A_6  : i32 {
      %mul3A_20 = arith.constant 10112 : i32
      %mul3A_21 = arith.muli %add3A, %mul3A_20 : i32
      %mul3A_22 = arith.constant 256 : i32
      %mul3A_23 = arith.muli %scan3A_19, %mul3A_22 : i32
      %add3A_24 = arith.addi %mul3A_21, %mul3A_23 : i32
      %dma_start3A = tpu.memref_slice %arg3[%add3A_24] : memref<323584xi32, #tpu.memory_space<hbm>> -> memref<128xi32, #tpu.memory_space<hbm>>
      %dma_start3A_25 = tpu.memref_slice %arg3[%add3A_24] : memref<323584xi32, #tpu.memory_space<hbm>> -> memref<128xi32, #tpu.memory_space<hbm>>
      tpu.enqueue_dma source(%dma_start3A_25 : memref<128xi32, #tpu.memory_space<hbm>>) target(%arg10 : memref<128xi32, #tpu.memory_space<vmem>>) target_semaphore(%arg16 : memref<!tpu.dma_semaphore, #tpu.memory_space<semaphore_mem>>)
      %dma_start3A_26 = tpu.memref_slice %arg4[%add3A_24] : memref<323584xi32, #tpu.memory_space<hbm>> -> memref<128xi32, #tpu.memory_space<hbm>>
      %dma_start3A_27 = tpu.memref_slice %arg4[%add3A_24] : memref<323584xi32, #tpu.memory_space<hbm>> -> memref<128xi32, #tpu.memory_space<hbm>>
      tpu.enqueue_dma source(%dma_start3A_27 : memref<128xi32, #tpu.memory_space<hbm>>) target(%arg12 : memref<128xi32, #tpu.memory_space<vmem>>) target_semaphore(%arg16 : memref<!tpu.dma_semaphore, #tpu.memory_space<semaphore_mem>>)
      %dma_wait3A_28 = tpu.memref_slice %arg3[%add3A_24] : memref<323584xi32, #tpu.memory_space<hbm>> -> memref<128xi32, #tpu.memory_space<hbm>>
      %dma_wait3A_29 = tpu.memref_slice %arg3[%add3A_24] : memref<323584xi32, #tpu.memory_space<hbm>> -> memref<128xi32, #tpu.memory_space<hbm>>
      tpu.wait_dma2 semaphore(%arg16 : memref<!tpu.dma_semaphore, #tpu.memory_space<semaphore_mem>>) src(%dma_wait3A_29 : memref<128xi32, #tpu.memory_space<hbm>>) dst(%arg10 : memref<128xi32, #tpu.memory_space<vmem>>)
      %dma_wait3A_30 = tpu.memref_slice %arg4[%add3A_24] : memref<323584xi32, #tpu.memory_space<hbm>> -> memref<128xi32, #tpu.memory_space<hbm>>
      %dma_wait3A_31 = tpu.memref_slice %arg4[%add3A_24] : memref<323584xi32, #tpu.memory_space<hbm>> -> memref<128xi32, #tpu.memory_space<hbm>>
      tpu.wait_dma2 semaphore(%arg16 : memref<!tpu.dma_semaphore, #tpu.memory_space<semaphore_mem>>) src(%dma_wait3A_31 : memref<128xi32, #tpu.memory_space<hbm>>) dst(%arg12 : memref<128xi32, #tpu.memory_space<vmem>>)
      %dma_start3A_32 = arith.constant 0 : i32
      %dma_start3A_33 = arith.constant 0 : i32
      %dma_start3A_34 = tpu.memref_slice %arg2[%dma_start3A_32, %dma_start3A_33] : memref<10240x128xf32, #tpu.memory_space<hbm>> -> memref<10240x128xf32, #tpu.memory_space<hbm>>
      tpu.enqueue_indirect_dma source(%dma_start3A_34 : memref<10240x128xf32, #tpu.memory_space<hbm>>) target(%arg8 : memref<128x128xf32, #tpu.memory_space<vmem>>) offsets(%arg10 : memref<128xi32, #tpu.memory_space<vmem>>) semaphore(%arg14 : memref<!tpu.dma_semaphore, #tpu.memory_space<semaphore_mem>>)
      %gt3A = arith.constant 0 : i32
      %gt3A_35 = arith.cmpi sgt, %scan3A_19, %gt3A : i32
      %convert_element_type3A = arith.extui %gt3A_35 : i1 to i32
      %cond3A = arith.constant 0 : i32
      %cond3A_36 = arith.cmpi ne, %convert_element_type3A, %cond3A : i32
      scf.if %cond3A_36 {
        %dma_wait3A_67 = arith.constant 0 : i32
        %dma_wait3A_68 = arith.constant 0 : i32
        %dma_wait3A_69 = tpu.memref_slice %arg7[%dma_wait3A_67, %dma_wait3A_68] : memref<10240x128xf32, #tpu.memory_space<vmem_shared>> -> memref<10240x128xf32, #tpu.memory_space<vmem_shared>>
        tpu.wait_indirect_dma semaphore(%arg15 : memref<!tpu.dma_semaphore, #tpu.memory_space<semaphore_mem>>) src(%arg9 : memref<128x128xf32, #tpu.memory_space<vmem>>) dst(%dma_wait3A_69 : memref<10240x128xf32, #tpu.memory_space<vmem_shared>>)
      } else {
      }
      %add3A_37 = arith.constant 128 : i32
      %add3A_38 = arith.addi %add3A_24, %add3A_37 : i32
      %dma_start3A_39 = tpu.memref_slice %arg3[%add3A_38] : memref<323584xi32, #tpu.memory_space<hbm>> -> memref<128xi32, #tpu.memory_space<hbm>>
      %dma_start3A_40 = tpu.memref_slice %arg3[%add3A_38] : memref<323584xi32, #tpu.memory_space<hbm>> -> memref<128xi32, #tpu.memory_space<hbm>>
      tpu.enqueue_dma source(%dma_start3A_40 : memref<128xi32, #tpu.memory_space<hbm>>) target(%arg11 : memref<128xi32, #tpu.memory_space<vmem>>) target_semaphore(%arg16 : memref<!tpu.dma_semaphore, #tpu.memory_space<semaphore_mem>>)
      %add3A_41 = arith.constant 128 : i32
      %add3A_42 = arith.addi %add3A_24, %add3A_41 : i32
      %dma_start3A_43 = tpu.memref_slice %arg4[%add3A_42] : memref<323584xi32, #tpu.memory_space<hbm>> -> memref<128xi32, #tpu.memory_space<hbm>>
      %dma_start3A_44 = tpu.memref_slice %arg4[%add3A_42] : memref<323584xi32, #tpu.memory_space<hbm>> -> memref<128xi32, #tpu.memory_space<hbm>>
      tpu.enqueue_dma source(%dma_start3A_44 : memref<128xi32, #tpu.memory_space<hbm>>) target(%arg13 : memref<128xi32, #tpu.memory_space<vmem>>) target_semaphore(%arg16 : memref<!tpu.dma_semaphore, #tpu.memory_space<semaphore_mem>>)
      %dma_wait3A_45 = tpu.memref_slice %arg3[%add3A_38] : memref<323584xi32, #tpu.memory_space<hbm>> -> memref<128xi32, #tpu.memory_space<hbm>>
      %dma_wait3A_46 = tpu.memref_slice %arg3[%add3A_38] : memref<323584xi32, #tpu.memory_space<hbm>> -> memref<128xi32, #tpu.memory_space<hbm>>
      tpu.wait_dma2 semaphore(%arg16 : memref<!tpu.dma_semaphore, #tpu.memory_space<semaphore_mem>>) src(%dma_wait3A_46 : memref<128xi32, #tpu.memory_space<hbm>>) dst(%arg11 : memref<128xi32, #tpu.memory_space<vmem>>)
      %dma_wait3A_47 = tpu.memref_slice %arg4[%add3A_42] : memref<323584xi32, #tpu.memory_space<hbm>> -> memref<128xi32, #tpu.memory_space<hbm>>
      %dma_wait3A_48 = tpu.memref_slice %arg4[%add3A_42] : memref<323584xi32, #tpu.memory_space<hbm>> -> memref<128xi32, #tpu.memory_space<hbm>>
      tpu.wait_dma2 semaphore(%arg16 : memref<!tpu.dma_semaphore, #tpu.memory_space<semaphore_mem>>) src(%dma_wait3A_48 : memref<128xi32, #tpu.memory_space<hbm>>) dst(%arg13 : memref<128xi32, #tpu.memory_space<vmem>>)
      %dma_wait3A_49 = arith.constant 0 : i32
      %dma_wait3A_50 = arith.constant 0 : i32
      %dma_wait3A_51 = tpu.memref_slice %arg2[%dma_wait3A_49, %dma_wait3A_50] : memref<10240x128xf32, #tpu.memory_space<hbm>> -> memref<10240x128xf32, #tpu.memory_space<hbm>>
      tpu.wait_indirect_dma semaphore(%arg14 : memref<!tpu.dma_semaphore, #tpu.memory_space<semaphore_mem>>) src(%dma_wait3A_51 : memref<10240x128xf32, #tpu.memory_space<hbm>>) dst(%arg8 : memref<128x128xf32, #tpu.memory_space<vmem>>)
      %dma_start3A_52 = arith.constant 0 : i32
      %dma_start3A_53 = arith.constant 0 : i32
      %dma_start3A_54 = tpu.memref_slice %arg2[%dma_start3A_52, %dma_start3A_53] : memref<10240x128xf32, #tpu.memory_space<hbm>> -> memref<10240x128xf32, #tpu.memory_space<hbm>>
      tpu.enqueue_indirect_dma source(%dma_start3A_54 : memref<10240x128xf32, #tpu.memory_space<hbm>>) target(%arg9 : memref<128x128xf32, #tpu.memory_space<vmem>>) offsets(%arg11 : memref<128xi32, #tpu.memory_space<vmem>>) semaphore(%arg14 : memref<!tpu.dma_semaphore, #tpu.memory_space<semaphore_mem>>)
      %dma_start3A_55 = arith.constant 0 : i32
      %dma_start3A_56 = arith.constant 0 : i32
      %dma_start3A_57 = tpu.memref_slice %arg7[%dma_start3A_55, %dma_start3A_56] : memref<10240x128xf32, #tpu.memory_space<vmem_shared>> -> memref<10240x128xf32, #tpu.memory_space<vmem_shared>>
      tpu.enqueue_indirect_dma source(%arg8 : memref<128x128xf32, #tpu.memory_space<vmem>>) target(%dma_start3A_57 : memref<10240x128xf32, #tpu.memory_space<vmem_shared>>) offsets(%arg12 : memref<128xi32, #tpu.memory_space<vmem>>) semaphore(%arg15 : memref<!tpu.dma_semaphore, #tpu.memory_space<semaphore_mem>>) {add = true}
      %dma_wait3A_58 = arith.constant 0 : i32
      %dma_wait3A_59 = arith.constant 0 : i32
      %dma_wait3A_60 = tpu.memref_slice %arg2[%dma_wait3A_58, %dma_wait3A_59] : memref<10240x128xf32, #tpu.memory_space<hbm>> -> memref<10240x128xf32, #tpu.memory_space<hbm>>
      tpu.wait_indirect_dma semaphore(%arg14 : memref<!tpu.dma_semaphore, #tpu.memory_space<semaphore_mem>>) src(%dma_wait3A_60 : memref<10240x128xf32, #tpu.memory_space<hbm>>) dst(%arg9 : memref<128x128xf32, #tpu.memory_space<vmem>>)
      %dma_start3A_61 = arith.constant 0 : i32
      %dma_start3A_62 = arith.constant 0 : i32
      %dma_start3A_63 = tpu.memref_slice %arg7[%dma_start3A_61, %dma_start3A_62] : memref<10240x128xf32, #tpu.memory_space<vmem_shared>> -> memref<10240x128xf32, #tpu.memory_space<vmem_shared>>
      tpu.enqueue_indirect_dma source(%arg9 : memref<128x128xf32, #tpu.memory_space<vmem>>) target(%dma_start3A_63 : memref<10240x128xf32, #tpu.memory_space<vmem_shared>>) offsets(%arg13 : memref<128xi32, #tpu.memory_space<vmem>>) semaphore(%arg15 : memref<!tpu.dma_semaphore, #tpu.memory_space<semaphore_mem>>) {add = true}
      %dma_wait3A_64 = arith.constant 0 : i32
      %dma_wait3A_65 = arith.constant 0 : i32
      %dma_wait3A_66 = tpu.memref_slice %arg7[%dma_wait3A_64, %dma_wait3A_65] : memref<10240x128xf32, #tpu.memory_space<vmem_shared>> -> memref<10240x128xf32, #tpu.memory_space<vmem_shared>>
      tpu.wait_indirect_dma semaphore(%arg15 : memref<!tpu.dma_semaphore, #tpu.memory_space<semaphore_mem>>) src(%arg8 : memref<128x128xf32, #tpu.memory_space<vmem>>) dst(%dma_wait3A_66 : memref<10240x128xf32, #tpu.memory_space<vmem_shared>>)
    }
    %scan3A_7 = arith.constant 39 : i32
    %dma_wait3A = arith.constant 0 : i32
    %dma_wait3A_8 = arith.constant 0 : i32
    %dma_wait3A_9 = tpu.memref_slice %arg7[%dma_wait3A, %dma_wait3A_8] : memref<10240x128xf32, #tpu.memory_space<vmem_shared>> -> memref<10240x128xf32, #tpu.memory_space<vmem_shared>>
    tpu.wait_indirect_dma semaphore(%arg15 : memref<!tpu.dma_semaphore, #tpu.memory_space<semaphore_mem>>) src(%arg9 : memref<128x128xf32, #tpu.memory_space<vmem>>) dst(%dma_wait3A_9 : memref<10240x128xf32, #tpu.memory_space<vmem_shared>>)
    %mul3A_10 = arith.constant 10112 : i32
    %mul3A_11 = arith.muli %add3A, %mul3A_10 : i32
    %add3A_12 = arith.constant 9984 : i32
    %add3A_13 = arith.addi %mul3A_11, %add3A_12 : i32
    "tpu.region"() ({
      %run_scoped3A = tpu.sem_alloc : memref<!tpu.dma_semaphore, #tpu.memory_space<semaphore_mem>>
      %dma_start3A = tpu.memref_slice %arg3[%add3A_13] : memref<323584xi32, #tpu.memory_space<hbm>> -> memref<128xi32, #tpu.memory_space<hbm>>
      %dma_start3A_19 = tpu.memref_slice %arg3[%add3A_13] : memref<323584xi32, #tpu.memory_space<hbm>> -> memref<128xi32, #tpu.memory_space<hbm>>
      tpu.enqueue_dma source(%dma_start3A_19 : memref<128xi32, #tpu.memory_space<hbm>>) target(%arg10 : memref<128xi32, #tpu.memory_space<vmem>>) target_semaphore(%run_scoped3A : memref<!tpu.dma_semaphore, #tpu.memory_space<semaphore_mem>>)
      %dma_wait3A_20 = tpu.memref_slice %arg3[%add3A_13] : memref<323584xi32, #tpu.memory_space<hbm>> -> memref<128xi32, #tpu.memory_space<hbm>>
      %dma_wait3A_21 = tpu.memref_slice %arg3[%add3A_13] : memref<323584xi32, #tpu.memory_space<hbm>> -> memref<128xi32, #tpu.memory_space<hbm>>
      tpu.wait_dma2 semaphore(%run_scoped3A : memref<!tpu.dma_semaphore, #tpu.memory_space<semaphore_mem>>) src(%dma_wait3A_21 : memref<128xi32, #tpu.memory_space<hbm>>) dst(%arg10 : memref<128xi32, #tpu.memory_space<vmem>>)
      tpu.yield
    }) : () -> ()
    "tpu.region"() ({
      %run_scoped3A = tpu.sem_alloc : memref<!tpu.dma_semaphore, #tpu.memory_space<semaphore_mem>>
      %dma_start3A = tpu.memref_slice %arg4[%add3A_13] : memref<323584xi32, #tpu.memory_space<hbm>> -> memref<128xi32, #tpu.memory_space<hbm>>
      %dma_start3A_19 = tpu.memref_slice %arg4[%add3A_13] : memref<323584xi32, #tpu.memory_space<hbm>> -> memref<128xi32, #tpu.memory_space<hbm>>
      tpu.enqueue_dma source(%dma_start3A_19 : memref<128xi32, #tpu.memory_space<hbm>>) target(%arg12 : memref<128xi32, #tpu.memory_space<vmem>>) target_semaphore(%run_scoped3A : memref<!tpu.dma_semaphore, #tpu.memory_space<semaphore_mem>>)
      %dma_wait3A_20 = tpu.memref_slice %arg4[%add3A_13] : memref<323584xi32, #tpu.memory_space<hbm>> -> memref<128xi32, #tpu.memory_space<hbm>>
      %dma_wait3A_21 = tpu.memref_slice %arg4[%add3A_13] : memref<323584xi32, #tpu.memory_space<hbm>> -> memref<128xi32, #tpu.memory_space<hbm>>
      tpu.wait_dma2 semaphore(%run_scoped3A : memref<!tpu.dma_semaphore, #tpu.memory_space<semaphore_mem>>) src(%dma_wait3A_21 : memref<128xi32, #tpu.memory_space<hbm>>) dst(%arg12 : memref<128xi32, #tpu.memory_space<vmem>>)
      tpu.yield
    }) : () -> ()
    "tpu.region"() ({
      %run_scoped3A = tpu.sem_alloc : memref<!tpu.dma_semaphore, #tpu.memory_space<semaphore_mem>>
      %dma_start3A = arith.constant 0 : i32
      %dma_start3A_19 = arith.constant 0 : i32
      %dma_start3A_20 = tpu.memref_slice %arg2[%dma_start3A, %dma_start3A_19] : memref<10240x128xf32, #tpu.memory_space<hbm>> -> memref<10240x128xf32, #tpu.memory_space<hbm>>
      tpu.enqueue_indirect_dma source(%dma_start3A_20 : memref<10240x128xf32, #tpu.memory_space<hbm>>) target(%arg8 : memref<128x128xf32, #tpu.memory_space<vmem>>) offsets(%arg10 : memref<128xi32, #tpu.memory_space<vmem>>) semaphore(%run_scoped3A : memref<!tpu.dma_semaphore, #tpu.memory_space<semaphore_mem>>)
      %dma_wait3A_21 = arith.constant 0 : i32
      %dma_wait3A_22 = arith.constant 0 : i32
      %dma_wait3A_23 = tpu.memref_slice %arg2[%dma_wait3A_21, %dma_wait3A_22] : memref<10240x128xf32, #tpu.memory_space<hbm>> -> memref<10240x128xf32, #tpu.memory_space<hbm>>
      tpu.wait_indirect_dma semaphore(%run_scoped3A : memref<!tpu.dma_semaphore, #tpu.memory_space<semaphore_mem>>) src(%dma_wait3A_23 : memref<10240x128xf32, #tpu.memory_space<hbm>>) dst(%arg8 : memref<128x128xf32, #tpu.memory_space<vmem>>)
      tpu.yield
    }) : () -> ()
    "tpu.region"() ({
      %run_scoped3A = tpu.sem_alloc : memref<!tpu.dma_semaphore, #tpu.memory_space<semaphore_mem>>
      %dma_start3A = arith.constant 0 : i32
      %dma_start3A_19 = arith.constant 0 : i32
      %dma_start3A_20 = tpu.memref_slice %arg7[%dma_start3A, %dma_start3A_19] : memref<10240x128xf32, #tpu.memory_space<vmem_shared>> -> memref<10240x128xf32, #tpu.memory_space<vmem_shared>>
      tpu.enqueue_indirect_dma source(%arg8 : memref<128x128xf32, #tpu.memory_space<vmem>>) target(%dma_start3A_20 : memref<10240x128xf32, #tpu.memory_space<vmem_shared>>) offsets(%arg12 : memref<128xi32, #tpu.memory_space<vmem>>) semaphore(%run_scoped3A : memref<!tpu.dma_semaphore, #tpu.memory_space<semaphore_mem>>) {add = true}
      %dma_wait3A_21 = arith.constant 0 : i32
      %dma_wait3A_22 = arith.constant 0 : i32
      %dma_wait3A_23 = tpu.memref_slice %arg7[%dma_wait3A_21, %dma_wait3A_22] : memref<10240x128xf32, #tpu.memory_space<vmem_shared>> -> memref<10240x128xf32, #tpu.memory_space<vmem_shared>>
      tpu.wait_indirect_dma semaphore(%run_scoped3A : memref<!tpu.dma_semaphore, #tpu.memory_space<semaphore_mem>>) src(%arg8 : memref<128x128xf32, #tpu.memory_space<vmem>>) dst(%dma_wait3A_23 : memref<10240x128xf32, #tpu.memory_space<vmem_shared>>)
      tpu.yield
    }) : () -> ()
    %barrier3A_14 = arith.constant 0 : index
    tpu.barrier barrier_id(%barrier3A_14)
    %mul3A_15 = arith.constant 640 : i32
    %mul3A_16 = arith.muli %arg1, %mul3A_15 : i32
    %mul3A_17 = arith.constant 640 : i32
    %mul3A_18 = arith.muli %arg1, %mul3A_17 : i32
    "tpu.region"() ({
      %run_scoped3A = tpu.sem_alloc : memref<!tpu.dma_semaphore, #tpu.memory_space<semaphore_mem>>
      %dma_start3A = arith.constant 0 : i32
      %dma_start3A_19 = tpu.memref_slice %arg6[%arg0, %mul3A_18, %dma_start3A] : memref<2x10240x128xf32, #tpu.memory_space<hbm>> -> memref<1x640x128xf32, #tpu.memory_space<hbm>>
      %dma_start3A_20 = tpu.memref_squeeze %dma_start3A_19 : memref<1x640x128xf32, #tpu.memory_space<hbm>> -> memref<640x128xf32, #tpu.memory_space<hbm>>
      %dma_start3A_21 = arith.constant 0 : i32
      %dma_start3A_22 = tpu.memref_slice %arg7[%mul3A_16, %dma_start3A_21] : memref<10240x128xf32, #tpu.memory_space<vmem_shared>> -> memref<640x128xf32, #tpu.memory_space<vmem_shared>>
      tpu.enqueue_dma source(%dma_start3A_22 : memref<640x128xf32, #tpu.memory_space<vmem_shared>>) target(%dma_start3A_20 : memref<640x128xf32, #tpu.memory_space<hbm>>) target_semaphore(%run_scoped3A : memref<!tpu.dma_semaphore, #tpu.memory_space<semaphore_mem>>)
      %dma_wait3A_23 = arith.constant 0 : i32
      %dma_wait3A_24 = tpu.memref_slice %arg6[%arg0, %mul3A_18, %dma_wait3A_23] : memref<2x10240x128xf32, #tpu.memory_space<hbm>> -> memref<1x640x128xf32, #tpu.memory_space<hbm>>
      %dma_wait3A_25 = tpu.memref_squeeze %dma_wait3A_24 : memref<1x640x128xf32, #tpu.memory_space<hbm>> -> memref<640x128xf32, #tpu.memory_space<hbm>>
      %dma_wait3A_26 = arith.constant 0 : i32
      %dma_wait3A_27 = tpu.memref_slice %arg7[%mul3A_16, %dma_wait3A_26] : memref<10240x128xf32, #tpu.memory_space<vmem_shared>> -> memref<640x128xf32, #tpu.memory_space<vmem_shared>>
      tpu.wait_dma2 semaphore(%run_scoped3A : memref<!tpu.dma_semaphore, #tpu.memory_space<semaphore_mem>>) src(%dma_wait3A_27 : memref<640x128xf32, #tpu.memory_space<vmem_shared>>) dst(%dma_wait3A_25 : memref<640x128xf32, #tpu.memory_space<hbm>>)
      tpu.yield
    }) : () -> ()
    return
  }
}

module attributes {stable_mosaic.version = 14 : i64} {
  func.func @_tc_mid(%arg0: i32, %arg1: memref<2x256x128xf32, #tpu.memory_space<vmem>>, %arg2: memref<2x256x128xf32, #tpu.memory_space<vmem>>, %arg3: memref<256x128xf32, #tpu.memory_space<vmem>>, %arg4: memref<1x128xf32, #tpu.memory_space<vmem>>, %arg5: memref<128x128xf32, #tpu.memory_space<vmem>>, %arg6: memref<256x128xf32, #tpu.memory_space<vmem>>) attributes {dimension_semantics = [#tpu.dimension_semantics<arbitrary>], iteration_bounds = array<i64: 40>, scalar_prefetch = 0 : i64, scratch_operands = 0 : i64, tpu.core_type = #tpu.core_type<tc>, window_params = [{transform_indices = @transform_0, window_bounds = array<i64: 2, 256, 128>}, {transform_indices = @transform_1, window_bounds = array<i64: 2, 256, 128>}, {transform_indices = @transform_2, window_bounds = array<i64: 256, 128>}, {pipeline_mode = #tpu.pipeline_mode<synchronous>, transform_indices = @transform_3, window_bounds = array<i64: 1, 128>}, {pipeline_mode = #tpu.pipeline_mode<synchronous>, transform_indices = @transform_4, window_bounds = array<i64: 128, 128>}, {transform_indices = @transform_5, window_bounds = array<i64: 256, 128>}]} {
    %get3A = arith.constant 0 : index
    %get3A_0 = arith.constant 0 : index
    %get3A_1 = arith.constant 0 : index
    %get3A_2 = vector.load %arg1[%get3A, %get3A_0, %get3A_1] : memref<2x256x128xf32, #tpu.memory_space<vmem>>, vector<2x256x128xf32>
    %slice3A = vector.extract_strided_slice %get3A_2 {offsets = [0, 0, 0], sizes = [1, 256, 1], strides = [1, 1, 1]} : vector<2x256x128xf32> to vector<1x256x1xf32>
    %squeeze3A = vector.shape_cast %slice3A : vector<1x256x1xf32> to vector<256x1xf32>
    %slice3A_3 = vector.extract_strided_slice %get3A_2 {offsets = [1, 0, 0], sizes = [1, 256, 1], strides = [1, 1, 1]} : vector<2x256x128xf32> to vector<1x256x1xf32>
    %squeeze3A_4 = vector.shape_cast %slice3A_3 : vector<1x256x1xf32> to vector<256x1xf32>
    %add3A = arith.addf %squeeze3A, %squeeze3A_4 : vector<256x1xf32>
    %add3A_5 = arith.constant 1.000000e+00 : f32
    %add3A_6 = vector.broadcast %add3A_5 : f32 to vector<256x1xf32>
    %add3A_7 = arith.addf %add3A, %add3A_6 : vector<256x1xf32>
    %rsqrt3A = math.rsqrt %add3A_7 : vector<256x1xf32>
    %get3A_8 = arith.constant 0 : index
    %get3A_9 = arith.constant 0 : index
    %get3A_10 = arith.constant 0 : index
    %get3A_11 = vector.load %arg2[%get3A_8, %get3A_9, %get3A_10] : memref<2x256x128xf32, #tpu.memory_space<vmem>>, vector<1x256x128xf32>
    %get3A_12 = vector.shape_cast %get3A_11 : vector<1x256x128xf32> to vector<256x128xf32>
    %get3A_13 = arith.constant 1 : index
    %get3A_14 = arith.constant 0 : index
    %get3A_15 = arith.constant 0 : index
    %get3A_16 = vector.load %arg2[%get3A_13, %get3A_14, %get3A_15] : memref<2x256x128xf32, #tpu.memory_space<vmem>>, vector<1x256x128xf32>
    %get3A_17 = vector.shape_cast %get3A_16 : vector<1x256x128xf32> to vector<256x128xf32>
    %add3A_18 = arith.addf %get3A_12, %get3A_17 : vector<256x128xf32>
    %get3A_19 = arith.constant 0 : index
    %get3A_20 = arith.constant 0 : index
    %get3A_21 = vector.load %arg3[%get3A_19, %get3A_20] : memref<256x128xf32, #tpu.memory_space<vmem>>, vector<256x128xf32>
    %add3A_22 = arith.addf %add3A_18, %get3A_21 : vector<256x128xf32>
    %mul3A = vector.broadcast %rsqrt3A : vector<256x1xf32> to vector<256x128xf32>
    %mul3A_23 = arith.mulf %mul3A, %add3A_22 : vector<256x128xf32>
    %get3A_24 = arith.constant 0 : index
    %get3A_25 = arith.constant 0 : index
    %get3A_26 = vector.load %arg4[%get3A_24, %get3A_25] : memref<1x128xf32, #tpu.memory_space<vmem>>, vector<1x128xf32>
    %add3A_27 = vector.broadcast %get3A_26 : vector<1x128xf32> to vector<256x128xf32>
    %add3A_28 = arith.addf %mul3A_23, %add3A_27 : vector<256x128xf32>
    %max3A = arith.constant 0.000000e+00 : f32
    %max3A_29 = vector.broadcast %max3A : f32 to vector<256x128xf32>
    %max3A_30 = arith.maximumf %add3A_28, %max3A_29 : vector<256x128xf32>
    %mul3A_31 = arith.constant 256 : i32
    %mul3A_32 = arith.muli %arg0, %mul3A_31 : i32
    %iota3A = tpu.iota {dimensions = array<i32: 0>} : vector<256x1xi32>
    %add3A_33 = vector.broadcast %mul3A_32 : i32 to vector<256x1xi32>
    %add3A_34 = arith.addi %add3A_33, %iota3A : vector<256x1xi32>
    %lt3A = arith.constant 10000 : i32
    %lt3A_35 = vector.broadcast %lt3A : i32 to vector<256x1xi32>
    %lt3A_36 = arith.cmpi slt, %add3A_34, %lt3A_35 : vector<256x1xi32>
    %jit3A = arith.constant 0.000000e+00 : f32
    %broadcast_in_dim3A = vector.shape_cast %lt3A_36 : vector<256x1xi1> to vector<256x1xi1>
    %broadcast_in_dim3A_37 = vector.broadcast %broadcast_in_dim3A : vector<256x1xi1> to vector<256x128xi1>
    %broadcast_in_dim3A_38 = vector.broadcast %jit3A : f32 to vector<256x128xf32>
    %select_n3A = arith.select %broadcast_in_dim3A_37, %max3A_30, %broadcast_in_dim3A_38 : vector<256x128xi1>, vector<256x128xf32>
    %get3A_39 = arith.constant 0 : index
    %get3A_40 = arith.constant 0 : index
    %get3A_41 = vector.load %arg5[%get3A_39, %get3A_40] : memref<128x128xf32, #tpu.memory_space<vmem>>, vector<128x128xf32>
    %dot_general3A = arith.constant dense<0.000000e+00> : vector<256x128xf32>
    %dot_general3A_42 = tpu.matmul %select_n3A, %get3A_41, %dot_general3A {dimension_numbers = #tpu.dot_dimension_numbers<[1], [0], [0], [1], [0, 0, 1, 1], [], []>, transpose_lhs_hint = false} : vector<256x128xf32>, vector<128x128xf32>, vector<256x128xf32> -> vector<256x128xf32>
    %mul3A_43 = vector.broadcast %rsqrt3A : vector<256x1xf32> to vector<256x128xf32>
    %mul3A_44 = arith.mulf %dot_general3A_42, %mul3A_43 : vector<256x128xf32>
    %swap3A = arith.constant 0 : index
    %swap3A_45 = arith.constant 0 : index
    %swap3A_46 = vector.load %arg6[%swap3A, %swap3A_45] : memref<256x128xf32, #tpu.memory_space<vmem>>, vector<256x128xf32>
    tpu.vector_store %arg6[%swap3A, %swap3A_45], %mul3A_44 {strides = array<i32>} : memref<256x128xf32, #tpu.memory_space<vmem>>, vector<256x128xf32>,
    return
  }
  func.func @transform_0(%arg0: i32) -> (i32, i32, i32) {
    %c0_i32 = arith.constant 0 : i32
    %c0_i32_0 = arith.constant 0 : i32
    %c0_i32_1 = arith.constant 0 : i32
    return %c0_i32, %arg0, %c0_i32_0 : i32, i32, i32
  }
  func.func @transform_1(%arg0: i32) -> (i32, i32, i32) {
    %c0_i32 = arith.constant 0 : i32
    %c0_i32_0 = arith.constant 0 : i32
    %c0_i32_1 = arith.constant 0 : i32
    return %c0_i32, %arg0, %c0_i32_0 : i32, i32, i32
  }
  func.func @transform_2(%arg0: i32) -> (i32, i32) {
    %c0_i32 = arith.constant 0 : i32
    %c0_i32_0 = arith.constant 0 : i32
    return %arg0, %c0_i32 : i32, i32
  }
  func.func @transform_3(%arg0: i32) -> (i32, i32) {
    %c0_i32 = arith.constant 0 : i32
    %c0_i32_0 = arith.constant 0 : i32
    %c0_i32_1 = arith.constant 0 : i32
    return %c0_i32, %c0_i32_0 : i32, i32
  }
  func.func @transform_4(%arg0: i32) -> (i32, i32) {
    %c0_i32 = arith.constant 0 : i32
    %c0_i32_0 = arith.constant 0 : i32
    %c0_i32_1 = arith.constant 0 : i32
    return %c0_i32, %c0_i32_0 : i32, i32
  }
  func.func @transform_5(%arg0: i32) -> (i32, i32) {
    %c0_i32 = arith.constant 0 : i32
    %c0_i32_0 = arith.constant 0 : i32
    return %arg0, %c0_i32 : i32, i32
  }
}

module attributes {stable_mosaic.version = 14 : i64} {
  func.func @_tc_first(%arg0: i32, %arg1: memref<2x256x128xf32, #tpu.memory_space<vmem>>, %arg2: memref<256x128xf32, #tpu.memory_space<vmem>>, %arg3: memref<128x128xf32, #tpu.memory_space<vmem>>, %arg4: memref<256x128xf32, #tpu.memory_space<vmem>>) attributes {dimension_semantics = [#tpu.dimension_semantics<arbitrary>], iteration_bounds = array<i64: 40>, scalar_prefetch = 0 : i64, scratch_operands = 0 : i64, tpu.core_type = #tpu.core_type<tc>, window_params = [{transform_indices = @transform_0, window_bounds = array<i64: 2, 256, 128>}, {transform_indices = @transform_1, window_bounds = array<i64: 256, 128>}, {pipeline_mode = #tpu.pipeline_mode<synchronous>, transform_indices = @transform_2, window_bounds = array<i64: 128, 128>}, {transform_indices = @transform_3, window_bounds = array<i64: 256, 128>}]} {
    %get3A = arith.constant 0 : index
    %get3A_0 = arith.constant 0 : index
    %get3A_1 = arith.constant 0 : index
    %get3A_2 = vector.load %arg1[%get3A, %get3A_0, %get3A_1] : memref<2x256x128xf32, #tpu.memory_space<vmem>>, vector<2x256x128xf32>
    %slice3A = vector.extract_strided_slice %get3A_2 {offsets = [0, 0, 0], sizes = [1, 256, 1], strides = [1, 1, 1]} : vector<2x256x128xf32> to vector<1x256x1xf32>
    %squeeze3A = vector.shape_cast %slice3A : vector<1x256x1xf32> to vector<256x1xf32>
    %slice3A_3 = vector.extract_strided_slice %get3A_2 {offsets = [1, 0, 0], sizes = [1, 256, 1], strides = [1, 1, 1]} : vector<2x256x128xf32> to vector<1x256x1xf32>
    %squeeze3A_4 = vector.shape_cast %slice3A_3 : vector<1x256x1xf32> to vector<256x1xf32>
    %add3A = arith.addf %squeeze3A, %squeeze3A_4 : vector<256x1xf32>
    %add3A_5 = arith.constant 1.000000e+00 : f32
    %add3A_6 = vector.broadcast %add3A_5 : f32 to vector<256x1xf32>
    %add3A_7 = arith.addf %add3A, %add3A_6 : vector<256x1xf32>
    %rsqrt3A = math.rsqrt %add3A_7 : vector<256x1xf32>
    %get3A_8 = arith.constant 0 : index
    %get3A_9 = arith.constant 0 : index
    %get3A_10 = vector.load %arg2[%get3A_8, %get3A_9] : memref<256x128xf32, #tpu.memory_space<vmem>>, vector<256x128xf32>
    %get3A_11 = arith.constant 0 : index
    %get3A_12 = arith.constant 0 : index
    %get3A_13 = vector.load %arg3[%get3A_11, %get3A_12] : memref<128x128xf32, #tpu.memory_space<vmem>>, vector<128x128xf32>
    %dot_general3A = arith.constant dense<0.000000e+00> : vector<256x128xf32>
    %dot_general3A_14 = tpu.matmul %get3A_10, %get3A_13, %dot_general3A {dimension_numbers = #tpu.dot_dimension_numbers<[1], [0], [0], [1], [0, 0, 1, 1], [], []>, transpose_lhs_hint = false} : vector<256x128xf32>, vector<128x128xf32>, vector<256x128xf32> -> vector<256x128xf32>
    %mul3A = arith.constant 256 : i32
    %mul3A_15 = arith.muli %arg0, %mul3A : i32
    %iota3A = tpu.iota {dimensions = array<i32: 0>} : vector<256x1xi32>
    %add3A_16 = vector.broadcast %mul3A_15 : i32 to vector<256x1xi32>
    %add3A_17 = arith.addi %add3A_16, %iota3A : vector<256x1xi32>
    %lt3A = arith.constant 10000 : i32
    %lt3A_18 = vector.broadcast %lt3A : i32 to vector<256x1xi32>
    %lt3A_19 = arith.cmpi slt, %add3A_17, %lt3A_18 : vector<256x1xi32>
    %mul3A_20 = vector.broadcast %rsqrt3A : vector<256x1xf32> to vector<256x128xf32>
    %mul3A_21 = arith.mulf %dot_general3A_14, %mul3A_20 : vector<256x128xf32>
    %jit3A = arith.constant 0.000000e+00 : f32
    %broadcast_in_dim3A = vector.shape_cast %lt3A_19 : vector<256x1xi1> to vector<256x1xi1>
    %broadcast_in_dim3A_22 = vector.broadcast %broadcast_in_dim3A : vector<256x1xi1> to vector<256x128xi1>
    %broadcast_in_dim3A_23 = vector.broadcast %jit3A : f32 to vector<256x128xf32>
    %select_n3A = arith.select %broadcast_in_dim3A_22, %mul3A_21, %broadcast_in_dim3A_23 : vector<256x128xi1>, vector<256x128xf32>
    %swap3A = arith.constant 0 : index
    %swap3A_24 = arith.constant 0 : index
    %swap3A_25 = vector.load %arg4[%swap3A, %swap3A_24] : memref<256x128xf32, #tpu.memory_space<vmem>>, vector<256x128xf32>
    tpu.vector_store %arg4[%swap3A, %swap3A_24], %select_n3A {strides = array<i32>} : memref<256x128xf32, #tpu.memory_space<vmem>>, vector<256x128xf32>,
    return
  }
  func.func @transform_0(%arg0: i32) -> (i32, i32, i32) {
    %c0_i32 = arith.constant 0 : i32
    %c0_i32_0 = arith.constant 0 : i32
    %c0_i32_1 = arith.constant 0 : i32
    return %c0_i32, %arg0, %c0_i32_0 : i32, i32, i32
  }
  func.func @transform_1(%arg0: i32) -> (i32, i32) {
    %c0_i32 = arith.constant 0 : i32
    %c0_i32_0 = arith.constant 0 : i32
    return %arg0, %c0_i32 : i32, i32
  }
  func.func @transform_2(%arg0: i32) -> (i32, i32) {
    %c0_i32 = arith.constant 0 : i32
    %c0_i32_0 = arith.constant 0 : i32
    %c0_i32_1 = arith.constant 0 : i32
    return %c0_i32, %c0_i32_0 : i32, i32
  }
  func.func @transform_3(%arg0: i32) -> (i32, i32) {
    %c0_i32 = arith.constant 0 : i32
    %c0_i32_0 = arith.constant 0 : i32
    return %arg0, %c0_i32 : i32, i32
  }
}

module attributes {stable_mosaic.version = 14 : i64} {
  func.func @_tc_last(%arg0: i32, %arg1: memref<2x256x128xf32, #tpu.memory_space<vmem>>, %arg2: memref<2x256x128xf32, #tpu.memory_space<vmem>>, %arg3: memref<256x128xf32, #tpu.memory_space<vmem>>, %arg4: memref<1x128xf32, #tpu.memory_space<vmem>>, %arg5: memref<1x128xf32, #tpu.memory_space<vmem>>, %arg6: memref<1x1xf32, #tpu.memory_space<vmem>>, %arg7: memref<256x1xf32, #tpu.memory_space<vmem>>) attributes {dimension_semantics = [#tpu.dimension_semantics<arbitrary>], iteration_bounds = array<i64: 40>, scalar_prefetch = 0 : i64, scratch_operands = 0 : i64, tpu.core_type = #tpu.core_type<tc>, window_params = [{transform_indices = @transform_0, window_bounds = array<i64: 2, 256, 128>}, {transform_indices = @transform_1, window_bounds = array<i64: 2, 256, 128>}, {transform_indices = @transform_2, window_bounds = array<i64: 256, 128>}, {pipeline_mode = #tpu.pipeline_mode<synchronous>, transform_indices = @transform_3, window_bounds = array<i64: 1, 128>}, {pipeline_mode = #tpu.pipeline_mode<synchronous>, transform_indices = @transform_4, window_bounds = array<i64: 1, 128>}, {pipeline_mode = #tpu.pipeline_mode<synchronous>, transform_indices = @transform_5, window_bounds = array<i64: 1, 1>}, {transform_indices = @transform_6, window_bounds = array<i64: 256, 1>}]} {
    %get3A = arith.constant 0 : index
    %get3A_0 = arith.constant 0 : index
    %get3A_1 = arith.constant 0 : index
    %get3A_2 = vector.load %arg1[%get3A, %get3A_0, %get3A_1] : memref<2x256x128xf32, #tpu.memory_space<vmem>>, vector<2x256x128xf32>
    %slice3A = vector.extract_strided_slice %get3A_2 {offsets = [0, 0, 0], sizes = [1, 256, 1], strides = [1, 1, 1]} : vector<2x256x128xf32> to vector<1x256x1xf32>
    %squeeze3A = vector.shape_cast %slice3A : vector<1x256x1xf32> to vector<256x1xf32>
    %slice3A_3 = vector.extract_strided_slice %get3A_2 {offsets = [1, 0, 0], sizes = [1, 256, 1], strides = [1, 1, 1]} : vector<2x256x128xf32> to vector<1x256x1xf32>
    %squeeze3A_4 = vector.shape_cast %slice3A_3 : vector<1x256x1xf32> to vector<256x1xf32>
    %add3A = arith.addf %squeeze3A, %squeeze3A_4 : vector<256x1xf32>
    %add3A_5 = arith.constant 1.000000e+00 : f32
    %add3A_6 = vector.broadcast %add3A_5 : f32 to vector<256x1xf32>
    %add3A_7 = arith.addf %add3A, %add3A_6 : vector<256x1xf32>
    %rsqrt3A = math.rsqrt %add3A_7 : vector<256x1xf32>
    %get3A_8 = arith.constant 0 : index
    %get3A_9 = arith.constant 0 : index
    %get3A_10 = arith.constant 0 : index
    %get3A_11 = vector.load %arg2[%get3A_8, %get3A_9, %get3A_10] : memref<2x256x128xf32, #tpu.memory_space<vmem>>, vector<1x256x128xf32>
    %get3A_12 = vector.shape_cast %get3A_11 : vector<1x256x128xf32> to vector<256x128xf32>
    %get3A_13 = arith.constant 1 : index
    %get3A_14 = arith.constant 0 : index
    %get3A_15 = arith.constant 0 : index
    %get3A_16 = vector.load %arg2[%get3A_13, %get3A_14, %get3A_15] : memref<2x256x128xf32, #tpu.memory_space<vmem>>, vector<1x256x128xf32>
    %get3A_17 = vector.shape_cast %get3A_16 : vector<1x256x128xf32> to vector<256x128xf32>
    %add3A_18 = arith.addf %get3A_12, %get3A_17 : vector<256x128xf32>
    %get3A_19 = arith.constant 0 : index
    %get3A_20 = arith.constant 0 : index
    %get3A_21 = vector.load %arg3[%get3A_19, %get3A_20] : memref<256x128xf32, #tpu.memory_space<vmem>>, vector<256x128xf32>
    %add3A_22 = arith.addf %add3A_18, %get3A_21 : vector<256x128xf32>
    %mul3A = vector.broadcast %rsqrt3A : vector<256x1xf32> to vector<256x128xf32>
    %mul3A_23 = arith.mulf %mul3A, %add3A_22 : vector<256x128xf32>
    %get3A_24 = arith.constant 0 : index
    %get3A_25 = arith.constant 0 : index
    %get3A_26 = vector.load %arg4[%get3A_24, %get3A_25] : memref<1x128xf32, #tpu.memory_space<vmem>>, vector<1x128xf32>
    %add3A_27 = vector.broadcast %get3A_26 : vector<1x128xf32> to vector<256x128xf32>
    %add3A_28 = arith.addf %mul3A_23, %add3A_27 : vector<256x128xf32>
    %max3A = arith.constant 0.000000e+00 : f32
    %max3A_29 = vector.broadcast %max3A : f32 to vector<256x128xf32>
    %max3A_30 = arith.maximumf %add3A_28, %max3A_29 : vector<256x128xf32>
    %mul3A_31 = arith.constant 256 : i32
    %mul3A_32 = arith.muli %arg0, %mul3A_31 : i32
    %iota3A = tpu.iota {dimensions = array<i32: 0>} : vector<256x1xi32>
    %add3A_33 = vector.broadcast %mul3A_32 : i32 to vector<256x1xi32>
    %add3A_34 = arith.addi %add3A_33, %iota3A : vector<256x1xi32>
    %lt3A = arith.constant 10000 : i32
    %lt3A_35 = vector.broadcast %lt3A : i32 to vector<256x1xi32>
    %lt3A_36 = arith.cmpi slt, %add3A_34, %lt3A_35 : vector<256x1xi32>
    %jit3A = arith.constant 0.000000e+00 : f32
    %broadcast_in_dim3A = vector.shape_cast %lt3A_36 : vector<256x1xi1> to vector<256x1xi1>
    %broadcast_in_dim3A_37 = vector.broadcast %broadcast_in_dim3A : vector<256x1xi1> to vector<256x128xi1>
    %broadcast_in_dim3A_38 = vector.broadcast %jit3A : f32 to vector<256x128xf32>
    %select_n3A = arith.select %broadcast_in_dim3A_37, %max3A_30, %broadcast_in_dim3A_38 : vector<256x128xi1>, vector<256x128xf32>
    %get3A_39 = arith.constant 0 : index
    %get3A_40 = arith.constant 0 : index
    %get3A_41 = vector.load %arg5[%get3A_39, %get3A_40] : memref<1x128xf32, #tpu.memory_space<vmem>>, vector<1x128xf32>
    %mul3A_42 = vector.broadcast %get3A_41 : vector<1x128xf32> to vector<256x128xf32>
    %mul3A_43 = arith.mulf %select_n3A, %mul3A_42 : vector<256x128xf32>
    %reduce_sum3A = arith.constant dense<0.000000e+00> : vector<256xf32>
    %reduce_sum3A_44 = vector.multi_reduction <add>, %mul3A_43, %reduce_sum3A [1] : vector<256x128xf32> to vector<256xf32>
    %broadcast_in_dim3A_45 = vector.shape_cast %reduce_sum3A_44 : vector<256xf32> to vector<256x1xf32>
    %get3A_46 = arith.constant 0 : index
    %get3A_47 = arith.constant 0 : index
    %get3A_48 = vector.load %arg6[%get3A_46, %get3A_47] : memref<1x1xf32, #tpu.memory_space<vmem>>, vector<1x1xf32>
    %get3A_49 = vector.extract %get3A_48[0, 0] : f32 from vector<1x1xf32>
    %add3A_50 = vector.broadcast %get3A_49 : f32 to vector<256x1xf32>
    %add3A_51 = arith.addf %broadcast_in_dim3A_45, %add3A_50 : vector<256x1xf32>
    %swap3A = arith.constant 0 : index
    %swap3A_52 = arith.constant 0 : index
    %swap3A_53 = vector.load %arg7[%swap3A, %swap3A_52] : memref<256x1xf32, #tpu.memory_space<vmem>>, vector<256x1xf32>
    tpu.vector_store %arg7[%swap3A, %swap3A_52], %add3A_51 {strides = array<i32>} : memref<256x1xf32, #tpu.memory_space<vmem>>, vector<256x1xf32>,
    return
  }
  func.func @transform_0(%arg0: i32) -> (i32, i32, i32) {
    %c0_i32 = arith.constant 0 : i32
    %c0_i32_0 = arith.constant 0 : i32
    %c0_i32_1 = arith.constant 0 : i32
    return %c0_i32, %arg0, %c0_i32_0 : i32, i32, i32
  }
  func.func @transform_1(%arg0: i32) -> (i32, i32, i32) {
    %c0_i32 = arith.constant 0 : i32
    %c0_i32_0 = arith.constant 0 : i32
    %c0_i32_1 = arith.constant 0 : i32
    return %c0_i32, %arg0, %c0_i32_0 : i32, i32, i32
  }
  func.func @transform_2(%arg0: i32) -> (i32, i32) {
    %c0_i32 = arith.constant 0 : i32
    %c0_i32_0 = arith.constant 0 : i32
    return %arg0, %c0_i32 : i32, i32
  }
  func.func @transform_3(%arg0: i32) -> (i32, i32) {
    %c0_i32 = arith.constant 0 : i32
    %c0_i32_0 = arith.constant 0 : i32
    %c0_i32_1 = arith.constant 0 : i32
    return %c0_i32, %c0_i32_0 : i32, i32
  }
  func.func @transform_4(%arg0: i32) -> (i32, i32) {
    %c0_i32 = arith.constant 0 : i32
    %c0_i32_0 = arith.constant 0 : i32
    %c0_i32_1 = arith.constant 0 : i32
    return %c0_i32, %c0_i32_0 : i32, i32
  }
  func.func @transform_5(%arg0: i32) -> (i32, i32) {
    %c0_i32 = arith.constant 0 : i32
    %c0_i32_0 = arith.constant 0 : i32
    %c0_i32_1 = arith.constant 0 : i32
    return %c0_i32, %c0_i32_0 : i32, i32
  }
  func.func @transform_6(%arg0: i32) -> (i32, i32) {
    %c0_i32 = arith.constant 0 : i32
    %c0_i32_0 = arith.constant 0 : i32
    return %arg0, %c0_i32 : i32, i32
  }
}

</mosaic_0001>

<sc_bundles>
// kernel: kernel.11.cloned.1.call-start
scs
__scs_entry_jumppad:
0x0: {  	(pc) =	sbr.rel $0x88, $3  }
0x1: {  	(tag) =	ssettag $0x0;
	lr =	simm.s32 $0x1  }
0x2: {  	[smem:$0x3F99] =	sst lr;
	_ =	strace $0xD0000000  }
0x3: {  	_ = 	snop  }
0x4: {  	_ = 	snop  }
0x5: {  	_ = 	snop  }
0x6: {  	_ = 	snop  }
0x7: {  	_ = 	snop  }
__scs_overlays_trampoline_lowered:
0x8: {  	[smem:$0x3FA8] =	sst s0  }
0x9: {  	[smem:$0x3FA9] =	sst s1  }
0xa: {  	[smem:$0x3FAA] =	sst s2  }
0xb: {  	[smem:$0x3FAB] =	sst s3  }
0xc: {  	[smem:$0x3FAC] =	sst s4  }
0xd: {  	[smem:$0x3FAD] =	sst s5  }
0xe: {  	[smem:$0x3FAE] =	sst s6  }
0xf: {  	[smem:$0x3FAF] =	sst s7  }
0x10: {  	[smem:$0x3FB0] =	sst s8  }
0x11: {  	[smem:$0x3FB1] =	sst s9;
	s0 =	simm.s32 @!p0 $0x0  }
0x12: {  	s1 =	sld [smem:$0x3F97];
	s0 =	simm.s32 @p0 $0x1  }
0x13: {  	[smem:$0x3FB2] =	sst s0;
	s0 =	simm.s32 @!p1 $0x0  }
0x14: {  	s2 =	sld [smem:$0x3F96];
	s0 =	simm.s32 @p1 $0x1  }
0x15: {  	[smem:$0x3FB3] =	sst s0;
	s0 =	simm.s32 @!p2 $0x0  }
0x16: {  	s3 =	sld [smem:$0x3FDB];
	s0 =	simm.s32 @p2 $0x1  }
0x17: {  	s4 =	simm.s32 $0x1BF5;
	[smem:$0x3FB5] =	sst s0  }
0x18: {  	s0 =	sld [smem:$0x3F98];
	_ =	swait.ge [sflag:s4], $0x0  }
0x19: {  	s7 =	sld [smem:$0x3F99]  }
0x1a: {  	s8 =	sadd.s32 $0xFFFFE003, lr  }
0x1b: {  	s9 =	sadd.s32 $0xFFFFFEF7, lr;
	s5 =	simm.s32 $0xFFFFFFFF;
	p2 =	slt.u32 s8, $0xFFFFF086  }
0x1c: {  	p1 =	slt.u32 s9, $0xF7A;
	s5 =	simm.s32 @!p2 $0x0  }
0x1d: {  	s5 =	simm.s32 @p1 $0x1;
	p0 =	seq.s32 s7, s2  }
0x1e: {  	s7 =	smul.u32 @!p0 $0xF7A, s2;
	p2 =	seq.s32 @!p0 s5, $0x0  }
0x1f: {  	s9 =	smul.u32 $0xF7A, s1;
	s8 =	simm.s32 @!p0 $0x1BF5;
	p2 =	por !p2, p0  }
0x20: {  	[sflag:s8] =	ssyncset.s32 @!p0 $0xFFFFF086;
	s6 =	sadd.s32 @!p0 s3, s7;
	s7 =	simm.s32 @!p0 $0x108  }
0x21: {  	s3 =	sadd.s32 s3, s9;
	s6 =	sadd.s32 @!p0 $0x88, s6;
	s7 =	simm.s32 @p2 $0x1082  }
0x22: {  	[simem:s7], [sflag:s8] =	dma.local @!p0 [hbm:s6], $0xF7A  }
0x23: {  	s9 =	sor.u32 $0xD0000000, s2;
	s6 =	simm.s32 $0x108;
	_ =	swait.ge @!p0 [sflag:s8], $0x0  }
0x24: {  	s3 =	sadd.s32 $0x88, s3;
	s6 =	simm.s32 @!p1 $0x1082;
	[sflag:s4] =	ssyncset.s32 $0xFFFFF086  }
0x25: {  	[simem:s6], [sflag:s4] =	dma.local [hbm:s3], $0xF7A  }
0x26: {  	[smem:$0x3F99] =	sst s1;
	(tag) =	ssettag s2;
	_ =	strace s9  }
0x27: {  	s1 =	sld [smem:$0x3FA9]  }
0x28: {  	s2 =	sld [smem:$0x3FAA]  }
0x29: {  	s4 =	sld [smem:$0x3FAC]  }
0x2a: {  	p0 =	seq.s32 s5, $0x0;
	s5 =	sld [smem:$0x3FAD]  }
0x2b: {  	s6 =	sld [smem:$0x3FAE]  }
0x2c: {  	s7 =	sld [smem:$0x3FAF]  }
0x2d: {  	s3 =	simm.s32 $0x108;
	s8 =	sld [smem:$0x3FB0]  }
0x2e: {  	s3 =	simm.s32 @!p0 $0x1082;
	s9 =	sld [smem:$0x3FB1]  }
0x2f: {  	lr =	sadd.s32 s0, s3;
	s0 =	sld [smem:$0x3FA8]  }
0x30: {  	s3 =	sld [smem:$0x3FAB]  }
0x31: {  	[smem:$0x3FB4] =	sst s10  }
0x32: {  	s10 =	sld [smem:$0x3FB2];
	_ =	sdelay $0x3  }
0x33: {  	p0 =	seq.s32 s10, $0x1;
	s10 =	sld [smem:$0x3FB4];
	_ =	sdelay $0x3  }
0x34: {  	[smem:$0x3FB4] =	sst s10  }
0x35: {  	s10 =	sld [smem:$0x3FB3];
	_ =	sdelay $0x3  }
0x36: {  	p1 =	seq.s32 s10, $0x1;
	s10 =	sld [smem:$0x3FB4];
	_ =	sdelay $0x3  }
0x37: {  	[smem:$0x3FB4] =	sst s10  }
0x38: {  	s10 =	sld [smem:$0x3FB5]  }
0x39: {  	_ = 	snop;
	(pc) =	sbr.ind lr, $3  }
0x3a: {  	_ = 	snop  }
0x3b: {  	_ = 	snop  }
0x3c: {  	p2 =	seq.s32 s10, $0x1;
	s10 =	sld [smem:$0x3FB4]  }
0x3d: {  	_ =	shalt  }
0x3e: {  	_ =	shalt  }
0x3f: {  	_ =	shalt  }
0x40: {  	_ =	shalt  }
0x41: {  	_ =	shalt  }
0x42: {  	_ =	shalt  }
0x43: {  	_ =	shalt  }
0x44: {  	_ =	shalt  }
0x45: {  	_ =	shalt  }
0x46: {  	_ =	shalt  }
0x47: {  	_ =	shalt  }
0x48: {  	_ =	shalt  }
0x49: {  	_ =	shalt  }
0x4a: {  	_ =	shalt  }
0x4b: {  	_ =	shalt  }
0x4c: {  	_ =	shalt  }
0x4d: {  	_ =	shalt  }
0x4e: {  	_ =	shalt  }
0x4f: {  	_ =	shalt  }
0x50: {  	_ =	shalt  }
0x51: {  	_ =	shalt  }
0x52: {  	_ =	shalt  }
0x53: {  	_ =	shalt  }
0x54: {  	_ =	shalt  }
0x55: {  	_ =	shalt  }
0x56: {  	_ =	shalt  }
0x57: {  	_ =	shalt  }
0x58: {  	_ =	shalt  }
0x59: {  	_ =	shalt  }
0x5a: {  	_ =	shalt  }
0x5b: {  	_ =	shalt  }
0x5c: {  	_ =	shalt  }
0x5d: {  	_ =	shalt  }
0x5e: {  	_ =	shalt  }
0x5f: {  	_ =	shalt  }
0x60: {  	_ =	shalt  }
0x61: {  	_ =	shalt  }
0x62: {  	_ =	shalt  }
0x63: {  	_ =	shalt  }
0x64: {  	_ =	shalt  }
0x65: {  	_ =	shalt  }
0x66: {  	_ =	shalt  }
0x67: {  	_ =	shalt  }
0x68: {  	_ =	shalt  }
0x69: {  	_ =	shalt  }
0x6a: {  	_ =	shalt  }
0x6b: {  	_ =	shalt  }
0x6c: {  	_ =	shalt  }
0x6d: {  	_ =	shalt  }
0x6e: {  	_ =	shalt  }
0x6f: {  	_ =	shalt  }
0x70: {  	_ =	shalt  }
0x71: {  	_ =	shalt  }
0x72: {  	_ =	shalt  }
0x73: {  	_ =	shalt  }
0x74: {  	_ =	shalt  }
0x75: {  	_ =	shalt  }
0x76: {  	_ =	shalt  }
0x77: {  	_ =	shalt  }
0x78: {  	_ =	shalt  }
0x79: {  	_ =	shalt  }
0x7a: {  	_ =	shalt  }
0x7b: {  	_ =	shalt  }
0x7c: {  	_ =	shalt  }
0x7d: {  	_ =	shalt  }
0x7e: {  	_ =	shalt  }
0x7f: {  	_ =	shalt  }
0x80: {  	_ =	shalt  }
0x81: {  	_ =	shalt  }
0x82: {  	_ =	shalt  }
0x83: {  	_ =	shalt  }
0x84: {  	_ =	shalt  }
0x85: {  	_ =	shalt  }
0x86: {  	_ =	shalt  }
0x87: {  	_ =	shalt  }
.Lfunc_end0:
.L_simem_size_0:
called_computation.1_lowered:
.L_overlay_start_0:
0x88: {  	s2 =	sld [smem:$0x3FD9]  }
0x89: {  	s3 =	sld [smem:$0x3FFE];
	_ =	sdelay $0x1  }
0x8a: {  	s1 =	srdreg.scid  }
0x8b: {  	s0 =	sand.u32 $0x1, s1  }
0x8c: {  	s16 =	sshll.u32 s0, $0xA;
	s2 =	sadd.s32 s3, s2  }
0x8d: {  	s2 =	sadd.s32 s2, s16  }
0x8e: {  	[smem:$0x3FC0] =	sst s2  }
0x8f: {  	_ = 	snop  }
0x90: {  	(tm) =	ssettm $0x1  }
0x91: {  	s17 =	sld [smem:$0x3FFB];
	_ =	sdelay $0x3  }
0x92: {  	_ =	strace s17  }
0x93: {  	s2 =	sld [smem:$0x3FFC];
	_ =	sdelay $0x3  }
0x94: {  	_ =	strace s2  }
0x95: {  	s2 =	sld [smem:$0x3FFD];
	_ =	sdelay $0x3  }
0x96: {  	_ =	strace s2  }
0x97: {  	_ =	strace $0x8FFFFFFF  }
0x98: {  	s18 =	sld [smem:$0x3FDB];
	_ =	sdelay $0x1  }
0x99: {  	s19 =	simm.s32 $_scs_section_size  }
0x9a: {  	s4 =	simm.s32 $_size__tile_overlayer_lowered;
	s5 =	simm.s32 $_tile_overlayer_lowered  }
0x9b: {  	s22 =	simm.s32 $0x1BFF;
	s21 =	sshll.u32 s5, $0x1;
	s2 =	sadd.s32 s19, s18  }
0x9c: {  	s6 =	simm.s32 $0x0;
	s20 =	sshll.u32 s4, $0x1;
	s4 =	sadd.s32 s21, s2  }
0x9d: {  	[timem:s6], [sflag:s22] =	dma.local [hbm:s4], s20  }
0x9e: {  	_ =	swait.ge [sflag:s22], s20  }
0x9f: {  	s3 =	ssub.s32 $0x0, s20;
	[sflag:s22] =	ssyncset.done $0x0  }
0xa0: {  	[sflag:s22] =	ssyncadd.s32 s3;
	_ =	sdelay $0x1  }
0xa1: {  	s23 =	simm.s32 $0x1B8B  }
0xa2: {  	_ =	swait.ge [sflag:s23], $0x1  }
0xa3: {  	[sflag:s23] =	ssyncset.done $0x0  }
0xa4: {  	s25 =	simm.s32 $0x1B8E;
	s24 =	sld [smem:$0x3FFE];
	[sflag:s23] =	ssyncadd.s32 $0xFFFFFFFF  }
0xa5: {  	s26 =	simm.s32 $execute0_lowered;
	[smem:$0x3FD2] =	sst s25  }
0xa6: {  	s4 =	sshll.u32 s26, $0x1;
	_ =	strace $0x80000049;
	[dreg:$0x1] =	wrdreg $0xFFFFFFFF  }
0xa7: {  	s28 =	simm.s32 $_size_execute0_lowered;
	s2 =	sadd.s32 s2, s4;
	[dreg:$0x0] =	wrdreg $0x0  }
0xa8: {  	s4 =	sshll.u32 s28, $0x1;
	[dreg:$0x2] =	wrdreg s2  }
0xa9: {  	[dreg:$0x3] =	wrdreg s4  }
0xaa: {  	[dreg:$0x4] =	wrdreg $0xC0  }
0xab: {  	_ =	task [dreg:s6], $0x5FFFF  }
0xac: {  	[dreg:$0x1] =	wrdreg $0xFFFFFFFF  }
0xad: {  	[dreg:$0x0] =	wrdreg $0x60  }
0xae: {  	[dreg:$0x2] =	wrdreg s24  }
0xaf: {  	[dreg:$0x3] =	wrdreg $0x0  }
0xb0: {  	[dreg:$0x4] =	wrdreg $0x9  }
0xb1: {  	_ =	task.clear_ibuf [dreg:s6], $0x5FFFF;
	_ =	strace $0x90000049  }
0xb2: {  	s29 =	simm.s32 $0x9;
	_ =	strace $0x8000004B  }
0xb3: {  	_ =	swait.ge [sflag:s29], $0x1  }
0xb4: {  	[sflag:s29] =	ssyncadd.s32 $0xFFFFFFFF  }
0xb5: {  	_ =	strace $0x9000004B  }
0xb6: {  	_ =	sfence  }
0xb7: {  	s30 =	sld [smem:$0x0];
	_ =	sdelay $0x2  }
0xb8: {  	s31 =	sshll.u32 s1, $0xD;
	s1 =	sshrl.u32 s1, $0x2  }
0xb9: {  	s3 =	sand.u32 $0x4000, s31;
	s1 =	sadd.s32 s1, s30  }
0xba: {  	s0 =	sor.u32 s3, s0;
	s1 =	sshll.u32 s1, $0x11  }
0xbb: {  	s0 =	sor.u32 s1, s0  }
0xbc: {  	s0 =	sadd.s32 $0x8F2B, s0  }
0xbd: {  	[sflag:s0] =	ssyncadd.remote.s32 $0x1  }
0xbe: {  	_ =	sfence.sel $0xFFFF  }
0xbf: {  	[dreg:$0x0] =	wrdreg $0xFFFFFFFF;
	(pc) =	sbr.abs _section_cstart, $3  }
0xc0: {  	[dreg:$0x1] =	wrdreg $0xFFFFFFFF  }
0xc1: {  	_ =	task.clear_ibuf [dreg:s6], $0x2FFFF;
	_ =	strace $0x9FFFFFFF  }
0xc2: {  	(tm) =	ssettm $0x7FFFFFFF  }
0xc3: {  	_ =	shalt  }
tec
execute0_lowered:
.L_overlay_start_1:
0x0: {  	(tag) =	ssettag $0x1  }
0x1: {  	s0 =	rddreg [dreg:$0x0]  }
0x2: {  	s1 =	rddreg [dreg:$0x1]  }
0x3: {  	s2 =	simm.s32 $0x0;
	s3 =	srdreg.scid;
	s12 =	stileid.u32  }
0x4: {  	s28 =	simm.s32 $0x1C080;
	s29 =	simm.s32 $0x1C180;
	s30 =	simm.s32 $0x1  }
0x5: {  	s31 =	simm.s32 $0x18000;
	[smem:$0x7FF] =	sst s2;
	s3 =	sand.u32 $0x1, s3  }
0x6: {  	s4 =	sadd.s32 $0xE600, s0;
	s5 =	sadd.s32 $0x5EE00, s0;
	s8 =	smul.u32 $0x14000, s12  }
0x7: {  	s6 =	sadd.s32 $0x2000, s0;
	s9 =	sadd.s32 $0xBE00, s0;
	s19 =	smul.u32 $0x50000, s12  }
0x8: {  	s22 =	sshll.u32 s12, $0x6;
	s14 =	smul.u32 $0x2780, s12;
	_ =	strace $0x8000004A  }
0x9: {  	s7 =	smul.u32 $0x140000, s3;
	[dreg:$0x3] =	wrdreg s9;
	s17 =	sshll.u32 s3, $0x4  }
0xa: {  	s10 =	ssub.s32 $0x2, s3;
	s3 =	smul.u32 $0x27800, s3;
	s18 =	sor.u32 s12, s17  }
0xb: {  	s20 =	sshrl.u32 s10, $0x1;
	s9 =	sshrl.u32 s19, $0x2;
	s7 =	sadd.s32 s8, s7  }
0xc: {  	s8 =	smul.u32 $0x2780, s18;
	s9 =	sadd.s32 s9, s1;
	s3 =	sadd.s32 s14, s3  }
0xd: {  	s7 =	sshrl.u32 s7, $0x3;
	s25 =	sadd.s32 $0x180, s3;
	s17 =	sadd.s32 $0x100, s3  }
0xe: {  	s3 =	simm.s32 $0x0;
	s0 =	sadd.s32 s7, s0;
	s7 =	ssub.s32 s10, s20  }
0xf: {  	s21 =	sshrl.u32 s8, $0x3;
	s8 =	sor.u32 $0x1C04, s22;
	s26 =	sshrl.u32 s25, $0x3  }
0x10: {  	s20 =	sshrl.u32 s9, $0x3;
	s22 =	simm.s32 $0x1C000;
	s25 =	simm.s32 $0x80  }
0x11: {  	s11 =	sadd.s32 $0x4E0, s21;
	s0 =	sadd.s32 $0x68C00, s0;
	s23 =	smax.u32 s7, $0x1  }
0x12: {  	s24 =	sadd.s32 $0x10, s21;
	s14 =	sadd.s32 s6, s21;
	s18 =	sadd.s32 s26, s6  }
0x13: {  	s19 =	sadd.s32 s26, s5;
	s26 =	simm.s32 $0x14000;
	[dreg:$0x6] =	wrdreg s0  }
0x14: {  	s13 =	sadd.s32 s5, s11;
	s11 =	sadd.s32 s6, s11;
	[dreg:$0x7] =	wrdreg s23  }
0x15: {  	s15 =	sadd.s32 s5, s24;
	s16 =	sadd.s32 s6, s24;
	s23 =	simm.s32 $0x1C100  }
0x16: {  	s24 =	simm.s32 $0x3;
	s0 =	simm.s32 $0x2;
	[dreg:$0x4] =	wrdreg s13  }
0x17: {  	[dreg:$0x5] =	wrdreg s11;
	s13 =	sadd.s32 s5, s21;
	s21 =	simm.s32 $0x4  }
.LBB2_1:
0x18: {  	s7 =	rddreg [dreg:$0x3]  }
0x19: {  	[spmem:s20], [sflag:s8] =	dma.local [hbm:s7], $0x2800  }
0x1a: {  	_ =	swait.ge [sflag:s21], $0x2800  }
0x1b: {  	[sflag:s21] =	ssyncset.done $0x0  }
0x1c: {  	[sflag:s21] =	ssyncadd.s32 $0xFFFFD800  }
0x1d: {  	[bflag:$0x0] =	sbarrier.arrive $0xFFFF  }
0x1e: {  	[tilespmem:s22], [sflag:$0x3] =	stream.linear.gather [hbm4b:s13+s2], $0x80, $0x38;
	[tilespmem:$0x1C200] =	vst v63  }
0x1f: {  	_ = 	snop  }
0x20: {  	[tilespmem:s23], [sflag:$0x3] =	stream.linear.gather [hbm4b:s14+s2], $0x80, $0x38;
	[tilespmem:$0x1C200] =	vst v63  }
0x21: {  	_ =	swait.ge [sflag:s24], $0x80  }
0x22: {  	[sflag:s24] =	ssyncset.done $0x0  }
0x23: {  	[sflag:s24] =	ssyncadd.s32 $0xFFFFFF80  }
0x24: {  	_ =	swait.ge [sflag:s24], $0x80  }
0x25: {  	[sflag:s24] =	ssyncset.done $0x0  }
0x26: {  	[sflag:s24] =	ssyncadd.s32 $0xFFFFFF80  }
0x27: {  	[tilespmem:s26], [sflag:$0x1] =	stream.indirect.gather [hbm4b:s4+s25], $0x80, s22, s25, $0xb8;
	[tilespmem:$0x1C200] =	vst v63  }
0x28: {  	_ = 	snop  }
0x29: {  	[tilespmem:s28], [sflag:$0x3] =	stream.linear.gather [hbm4b:s15+s2], $0x80, $0x38;
	[tilespmem:$0x1C200] =	vst v63  }
0x2a: {  	_ = 	snop  }
0x2b: {  	[tilespmem:s29], [sflag:$0x3] =	stream.linear.gather [hbm4b:s16+s2], $0x80, $0x38;
	[tilespmem:$0x1C200] =	vst v63  }
0x2c: {  	_ =	swait.ge [sflag:s24], $0x80  }
0x2d: {  	[sflag:s24] =	ssyncset.done $0x0  }
0x2e: {  	[sflag:s24] =	ssyncadd.s32 $0xFFFFFF80  }
0x2f: {  	_ =	swait.ge [sflag:s24], $0x80  }
0x30: {  	[sflag:s24] =	ssyncset.done $0x0  }
0x31: {  	[sflag:s24] =	ssyncadd.s32 $0xFFFFFF80  }
0x32: {  	_ =	swait.ge [sflag:s30], $0x4000  }
0x33: {  	[sflag:s30] =	ssyncset.done $0x0  }
0x34: {  	[sflag:s30] =	ssyncadd.s32 $0xFFFFC000  }
0x35: {  	[tilespmem:s31], [sflag:$0x1] =	stream.indirect.gather [hbm4b:s4+s25], $0x80, s28, s25, $0xb8;
	[tilespmem:$0x1C200] =	vst v63  }
0x36: {  	_ = 	snop  }
0x37: {  	[spmem:s1] =	stream.indirect.scatter.add.f32 [tilespmem:s26], [sflag:$0x2], $0x80, s23, s25, $0xb8;
	[tilespmem:$0x1C200] =	vst v63  }
0x38: {  	_ =	swait.ge [sflag:s30], $0x4000  }
0x39: {  	[sflag:s30] =	ssyncset.done $0x0  }
0x3a: {  	[sflag:s30] =	ssyncadd.s32 $0xFFFFC000  }
0x3b: {  	[spmem:s1] =	stream.indirect.scatter.add.f32 [tilespmem:s31], [sflag:$0x2], $0x80, s29, s25, $0xb8;
	[tilespmem:$0x1C200] =	vst v63  }
0x3c: {  	_ =	swait.ge [sflag:s0], $0x4000  }
0x3d: {  	s10 =	sshrl.u32 s17, $0x3;
	[sflag:s0] =	ssyncset.done $0x0  }
0x3e: {  	s9 =	sadd.s32 s5, s10;
	[sflag:s0] =	ssyncadd.s32 $0xFFFFC000  }
0x3f: {  	[tilespmem:s22], [sflag:$0x3] =	stream.linear.gather [hbm4b:s9+s2], $0x80, $0x38;
	[tilespmem:$0x1C200] =	vst v63  }
0x40: {  	s7 =	sadd.s32 s6, s10  }
0x41: {  	[tilespmem:s23], [sflag:$0x3] =	stream.linear.gather [hbm4b:s7+s2], $0x80, $0x38;
	[tilespmem:$0x1C200] =	vst v63  }
0x42: {  	_ =	swait.ge [sflag:s24], $0x80  }
0x43: {  	[sflag:s24] =	ssyncset.done $0x0  }
0x44: {  	[sflag:s24] =	ssyncadd.s32 $0xFFFFFF80  }
0x45: {  	_ =	swait.ge [sflag:s24], $0x80  }
0x46: {  	[sflag:s24] =	ssyncset.done $0x0  }
0x47: {  	[sflag:s24] =	ssyncadd.s32 $0xFFFFFF80  }
0x48: {  	[tilespmem:s26], [sflag:$0x1] =	stream.indirect.gather [hbm4b:s4+s25], $0x80, s22, s25, $0xb8;
	[tilespmem:$0x1C200] =	vst v63  }
0x49: {  	_ =	swait.ge [sflag:s0], $0x4000  }
0x4a: {  	[sflag:s0] =	ssyncset.done $0x0  }
0x4b: {  	s11 =	sadd.s32 $0x0, s19;
	[sflag:s0] =	ssyncadd.s32 $0xFFFFC000  }
0x4c: {  	[tilespmem:s28], [sflag:$0x3] =	stream.linear.gather [hbm4b:s11+s2], $0x80, $0x38;
	[tilespmem:$0x1C200] =	vst v63  }
0x4d: {  	s12 =	sadd.s32 $0x0, s18  }
0x4e: {  	[tilespmem:s29], [sflag:$0x3] =	stream.linear.gather [hbm4b:s12+s2], $0x80, $0x38;
	[tilespmem:$0x1C200] =	vst v63  }
0x4f: {  	_ =	swait.ge [sflag:s24], $0x80  }
0x50: {  	[sflag:s24] =	ssyncset.done $0x0  }
0x51: {  	[sflag:s24] =	ssyncadd.s32 $0xFFFFFF80  }
0x52: {  	_ =	swait.ge [sflag:s24], $0x80  }
0x53: {  	[sflag:s24] =	ssyncset.done $0x0  }
0x54: {  	[sflag:s24] =	ssyncadd.s32 $0xFFFFFF80  }
0x55: {  	_ =	swait.ge [sflag:s30], $0x4000  }
0x56: {  	[sflag:s30] =	ssyncset.done $0x0  }
0x57: {  	[sflag:s30] =	ssyncadd.s32 $0xFFFFC000  }
0x58: {  	[tilespmem:s31], [sflag:$0x1] =	stream.indirect.gather [hbm4b:s4+s25], $0x80, s28, s25, $0xb8;
	[tilespmem:$0x1C200] =	vst v63  }
0x59: {  	_ = 	snop  }
0x5a: {  	[spmem:s1] =	stream.indirect.scatter.add.f32 [tilespmem:s26], [sflag:$0x2], $0x80, s23, s25, $0xb8;
	[tilespmem:$0x1C200] =	vst v63  }
0x5b: {  	_ =	swait.ge [sflag:s30], $0x4000  }
0x5c: {  	[sflag:s30] =	ssyncset.done $0x0  }
0x5d: {  	[sflag:s30] =	ssyncadd.s32 $0xFFFFC000  }
0x5e: {  	[spmem:s1] =	stream.indirect.scatter.add.f32 [tilespmem:s31], [sflag:$0x2], $0x80, s29, s25, $0xb8;
	[tilespmem:$0x1C200] =	vst v63  }
0x5f: {  	s10 =	simm.s32 $0x40;
	s9 =	sadd.s32 $0x100, s17;
	_ =	swait.ge [sflag:s0], $0x4000  }
0x60: {  	s7 =	simm.s32 $0x20;
	s11 =	sshrl.u32 s9, $0x3;
	[sflag:s0] =	ssyncset.done $0x0  }
.LBB2_2:
0x61: {  	p0 =	sne.s32 s10, $0x4A0;
	s12 =	sadd.s32 s5, s11;
	[sflag:s0] =	ssyncadd.s32 $0xFFFFC000  }
0x62: {  	[tilespmem:s22], [sflag:$0x3] =	stream.linear.gather [hbm4b:s12+s2], $0x80, $0x38;
	[tilespmem:$0x1C200] =	vst v63  }
0x63: {  	s11 =	sadd.s32 s6, s11;
	s12 =	smov.u32 s10;
	s10 =	sadd.s32 $0x20, s10  }
0x64: {  	[tilespmem:s23], [sflag:$0x3] =	stream.linear.gather [hbm4b:s11+s2], $0x80, $0x38;
	[tilespmem:$0x1C200] =	vst v63  }
0x65: {  	_ =	swait.ge [sflag:s24], $0x80  }
0x66: {  	[sflag:s24] =	ssyncset.done $0x0  }
0x67: {  	[sflag:s24] =	ssyncadd.s32 $0xFFFFFF80  }
0x68: {  	_ =	swait.ge [sflag:s24], $0x80  }
0x69: {  	[sflag:s24] =	ssyncset.done $0x0  }
0x6a: {  	[sflag:s24] =	ssyncadd.s32 $0xFFFFFF80  }
0x6b: {  	[tilespmem:s26], [sflag:$0x1] =	stream.indirect.gather [hbm4b:s4+s25], $0x80, s22, s25, $0xb8;
	[tilespmem:$0x1C200] =	vst v63  }
0x6c: {  	_ =	swait.ge [sflag:s0], $0x4000  }
0x6d: {  	[sflag:s0] =	ssyncset.done $0x0  }
0x6e: {  	s11 =	sadd.s32 s7, s19;
	[sflag:s0] =	ssyncadd.s32 $0xFFFFC000  }
0x6f: {  	[tilespmem:s28], [sflag:$0x3] =	stream.linear.gather [hbm4b:s11+s2], $0x80, $0x38;
	[tilespmem:$0x1C200] =	vst v63  }
0x70: {  	s11 =	sadd.s32 s7, s18;
	s7 =	smov.u32 s12  }
0x71: {  	[tilespmem:s29], [sflag:$0x3] =	stream.linear.gather [hbm4b:s11+s2], $0x80, $0x38;
	[tilespmem:$0x1C200] =	vst v63  }
0x72: {  	_ =	swait.ge [sflag:s24], $0x80  }
0x73: {  	[sflag:s24] =	ssyncset.done $0x0  }
0x74: {  	[sflag:s24] =	ssyncadd.s32 $0xFFFFFF80  }
0x75: {  	_ =	swait.ge [sflag:s24], $0x80  }
0x76: {  	[sflag:s24] =	ssyncset.done $0x0  }
0x77: {  	[sflag:s24] =	ssyncadd.s32 $0xFFFFFF80  }
0x78: {  	_ =	swait.ge [sflag:s30], $0x4000  }
0x79: {  	[sflag:s30] =	ssyncset.done $0x0  }
0x7a: {  	[sflag:s30] =	ssyncadd.s32 $0xFFFFC000  }
0x7b: {  	[tilespmem:s31], [sflag:$0x1] =	stream.indirect.gather [hbm4b:s4+s25], $0x80, s28, s25, $0xb8;
	[tilespmem:$0x1C200] =	vst v63  }
0x7c: {  	_ = 	snop  }
0x7d: {  	[spmem:s1] =	stream.indirect.scatter.add.f32 [tilespmem:s26], [sflag:$0x2], $0x80, s23, s25, $0xb8;
	[tilespmem:$0x1C200] =	vst v63  }
0x7e: {  	_ =	swait.ge [sflag:s30], $0x4000  }
.Ltmp0:
0x7f: {  	[sflag:s30] =	ssyncset.done $0x0;
	(pc) =	sbr.rel @p0 .LBB2_2-.Ltmp0, $4  }
0x80: {  	[sflag:s30] =	ssyncadd.s32 $0xFFFFC000  }
0x81: {  	[spmem:s1] =	stream.indirect.scatter.add.f32 [tilespmem:s31], [sflag:$0x2], $0x80, s29, s25, $0xb8;
	[tilespmem:$0x1C200] =	vst v63  }
0x82: {  	s9 =	sadd.s32 $0x100, s9;
	_ =	swait.ge [sflag:s0], $0x4000  }
0x83: {  	s11 =	sshrl.u32 s9, $0x3;
	[sflag:s0] =	ssyncset.done $0x0  }
0x84: {  	s9 =	sadd.s32 s5, s11;
	[sflag:s0] =	ssyncadd.s32 $0xFFFFC000  }
0x85: {  	[tilespmem:s22], [sflag:$0x3] =	stream.linear.gather [hbm4b:s9+s2], $0x80, $0x38;
	[tilespmem:$0x1C200] =	vst v63  }
0x86: {  	s10 =	sadd.s32 s6, s11  }
0x87: {  	[tilespmem:s23], [sflag:$0x3] =	stream.linear.gather [hbm4b:s10+s2], $0x80, $0x38;
	[tilespmem:$0x1C200] =	vst v63  }
0x88: {  	_ =	swait.ge [sflag:s24], $0x80  }
0x89: {  	[sflag:s24] =	ssyncset.done $0x0  }
0x8a: {  	[sflag:s24] =	ssyncadd.s32 $0xFFFFFF80  }
0x8b: {  	_ =	swait.ge [sflag:s24], $0x80  }
0x8c: {  	[sflag:s24] =	ssyncset.done $0x0  }
0x8d: {  	[sflag:s24] =	ssyncadd.s32 $0xFFFFFF80  }
0x8e: {  	[tilespmem:s26], [sflag:$0x1] =	stream.indirect.gather [hbm4b:s4+s25], $0x80, s22, s25, $0xb8;
	[tilespmem:$0x1C200] =	vst v63  }
0x8f: {  	_ =	swait.ge [sflag:s0], $0x4000  }
0x90: {  	[sflag:s0] =	ssyncset.done $0x0  }
0x91: {  	s11 =	sadd.s32 s7, s19;
	[sflag:s0] =	ssyncadd.s32 $0xFFFFC000  }
0x92: {  	[tilespmem:s28], [sflag:$0x3] =	stream.linear.gather [hbm4b:s11+s2], $0x80, $0x38;
	[tilespmem:$0x1C200] =	vst v63  }
0x93: {  	s12 =	sadd.s32 s7, s18  }
0x94: {  	[tilespmem:s29], [sflag:$0x3] =	stream.linear.gather [hbm4b:s12+s2], $0x80, $0x38;
	[tilespmem:$0x1C200] =	vst v63  }
0x95: {  	_ =	swait.ge [sflag:s24], $0x80  }
0x96: {  	[sflag:s24] =	ssyncset.done $0x0  }
0x97: {  	[sflag:s24] =	ssyncadd.s32 $0xFFFFFF80  }
0x98: {  	_ =	swait.ge [sflag:s24], $0x80  }
0x99: {  	[sflag:s24] =	ssyncset.done $0x0  }
0x9a: {  	[sflag:s24] =	ssyncadd.s32 $0xFFFFFF80  }
0x9b: {  	_ =	swait.ge [sflag:s30], $0x4000  }
0x9c: {  	[sflag:s30] =	ssyncset.done $0x0  }
0x9d: {  	[sflag:s30] =	ssyncadd.s32 $0xFFFFC000  }
0x9e: {  	[tilespmem:s31], [sflag:$0x1] =	stream.indirect.gather [hbm4b:s4+s25], $0x80, s28, s25, $0xb8;
	[tilespmem:$0x1C200] =	vst v63  }
0x9f: {  	_ = 	snop  }
0xa0: {  	[spmem:s1] =	stream.indirect.scatter.add.f32 [tilespmem:s26], [sflag:$0x2], $0x80, s23, s25, $0xb8;
	[tilespmem:$0x1C200] =	vst v63  }
0xa1: {  	_ =	swait.ge [sflag:s30], $0x4000  }
0xa2: {  	[sflag:s30] =	ssyncset.done $0x0  }
0xa3: {  	[sflag:s30] =	ssyncadd.s32 $0xFFFFC000  }
0xa4: {  	[spmem:s1] =	stream.indirect.scatter.add.f32 [tilespmem:s31], [sflag:$0x2], $0x80, s29, s25, $0xb8;
	[tilespmem:$0x1C200] =	vst v63  }
0xa5: {  	_ =	swait.ge [sflag:s0], $0x4000  }
0xa6: {  	[sflag:s0] =	ssyncset.done $0x0  }
0xa7: {  	[sflag:s0] =	ssyncadd.s32 $0xFFFFC000  }
0xa8: {  	_ =	swait.ge [sflag:s0], $0x4000  }
0xa9: {  	[sflag:s0] =	ssyncset.done $0x0  }
0xaa: {  	s9 =	rddreg [dreg:$0x4];
	[sflag:s0] =	ssyncadd.s32 $0xFFFFC000  }
0xab: {  	[tilespmem:s22], [sflag:$0x4] =	stream.linear.gather [hbm4b:s9+s2], $0x80, $0x38;
	[tilespmem:$0x1C200] =	vst v63  }
0xac: {  	_ =	swait.ge [sflag:s21], $0x80  }
0xad: {  	[sflag:s21] =	ssyncset.done $0x0  }
0xae: {  	s10 =	rddreg [dreg:$0x5];
	[sflag:s21] =	ssyncadd.s32 $0xFFFFFF80  }
0xaf: {  	[tilespmem:s23], [sflag:$0x4] =	stream.linear.gather [hbm4b:s10+s2], $0x80, $0x38;
	[tilespmem:$0x1C200] =	vst v63  }
0xb0: {  	_ =	swait.ge [sflag:s21], $0x80  }
0xb1: {  	[sflag:s21] =	ssyncset.done $0x0  }
0xb2: {  	[sflag:s21] =	ssyncadd.s32 $0xFFFFFF80  }
0xb3: {  	[tilespmem:s26], [sflag:$0x4] =	stream.indirect.gather [hbm4b:s4+s25], $0x80, s22, s25, $0xb8;
	[tilespmem:$0x1C200] =	vst v63  }
0xb4: {  	_ =	swait.ge [sflag:s21], $0x4000  }
0xb5: {  	[sflag:s21] =	ssyncset.done $0x0  }
0xb6: {  	[sflag:s21] =	ssyncadd.s32 $0xFFFFC000  }
0xb7: {  	[spmem:s1] =	stream.indirect.scatter.add.f32 [tilespmem:s26], [sflag:$0x4], $0x80, s23, s25, $0xb8;
	[tilespmem:$0x1C200] =	vst v63  }
0xb8: {  	_ =	swait.ge [sflag:s21], $0x4000  }
0xb9: {  	[sflag:s21] =	ssyncset.done $0x0  }
0xba: {  	[sflag:s21] =	ssyncadd.s32 $0xFFFFC000  }
0xbb: {  	[bflag:$0x0] =	sbarrier.arrive $0xFFFF  }
0xbc: {  	s11 =	rddreg [dreg:$0x6]  }
0xbd: {  	[hbm:s11], [sflag:s8] =	dma.local [spmem:s20], $0x2800  }
0xbe: {  	_ =	swait.ge [sflag:s21], $0x2800  }
0xbf: {  	s3 =	sadd.s32 $0x1, s3;
	s12 =	rddreg [dreg:$0x7]  }
0xc0: {  	p0 =	sne.s32 s3, s12  }
.Ltmp1:
0xc1: {  	_ = 	snop;
	(pc) =	sbr.rel @p0 .LBB2_1-.Ltmp1, $3  }
0xc2: {  	_ =	sdelay $0x1  }
0xc3: {  	[sflag:s21] =	ssyncset.done $0x0  }
0xc4: {  	[sflag:s21] =	ssyncadd.s32 $0xFFFFD800  }
0xc5: {  	_ =	sfence.sel $0x180000  }
0xc6: {  	[bflag:$0x0] =	sbarrier.arrive $0xFFFF  }
0xc7: {  	_ =	strace $0x9000004A  }
0xc8: {  	s0 =	stileid.u32;
	[bflag:$0x2] =	sbarrier.arrive $0xFFFF  }
0xc9: {  	p0 =	sne.s32 s0, $0x0;
	s0 =	rddreg [dreg:$0x2]  }
0xca: {  	s0 =	sadd.s32 @!p0 $0x100000, s0  }
0xcb: {  	[sflag:s0] =	ssyncadd.tile.s32 @!p0 $0x1;
	_ =	shalt  }
.Lfunc_end2:
_tile_overlayer_lowered:
.L_overlay_start_2:
0xcc: {  	(tag) =	ssettag $0x2  }
0xcd: {  	s0 =	rddreg [dreg:$0x0];
	s2 =	stileid.u32  }
0xce: {  	s1 =	rddreg [dreg:$0x1];
	p0 =	sne.s32 s2, $0x0  }
0xcf: {  	s3 =	rddreg [dreg:$0x2];
	[bflag:$0x3] =	sbarrier.arrive $0xFFFF;
	s2 =	simm.s32 @!p0 $0x1C04  }
0xd0: {  	[timem:s3], [sflag:s2] =	dma.local @!p0 [hbm:s0], s1  }
0xd1: {  	s0 =	simm.s32 @!p0 $0x4  }
0xd2: {  	_ =	swait.ge @!p0 [sflag:s0], s1  }
0xd3: {  	s1 =	ssub.s32 @!p0 $0x0, s1;
	[sflag:s0] =	ssyncset.done @!p0 $0x0  }
0xd4: {  	[sflag:s0] =	ssyncadd.s32 @!p0 s1  }
0xd5: {  	[bflag:$0x3] =	sbarrier.arrive $0xFFFF  }
0xd6: {  	_ =	shalt  }

// kernel: kernel.14.cloned.1.call-start
scs
__scs_entry_jumppad:
0x0: {  	(pc) =	sbr.rel $0x88, $3  }
0x1: {  	(tag) =	ssettag $0x0;
	lr =	simm.s32 $0x1  }
0x2: {  	[smem:$0x3F99] =	sst lr;
	_ =	strace $0xD0000000  }
0x3: {  	_ = 	snop  }
0x4: {  	_ = 	snop  }
0x5: {  	_ = 	snop  }
0x6: {  	_ = 	snop  }
0x7: {  	_ = 	snop  }
__scs_overlays_trampoline_lowered:
0x8: {  	[smem:$0x3FA8] =	sst s0  }
0x9: {  	[smem:$0x3FA9] =	sst s1  }
0xa: {  	[smem:$0x3FAA] =	sst s2  }
0xb: {  	[smem:$0x3FAB] =	sst s3  }
0xc: {  	[smem:$0x3FAC] =	sst s4  }
0xd: {  	[smem:$0x3FAD] =	sst s5  }
0xe: {  	[smem:$0x3FAE] =	sst s6  }
0xf: {  	[smem:$0x3FAF] =	sst s7  }
0x10: {  	[smem:$0x3FB0] =	sst s8  }
0x11: {  	[smem:$0x3FB1] =	sst s9;
	s0 =	simm.s32 @!p0 $0x0  }
0x12: {  	s1 =	sld [smem:$0x3F97];
	s0 =	simm.s32 @p0 $0x1  }
0x13: {  	[smem:$0x3FB2] =	sst s0;
	s0 =	simm.s32 @!p1 $0x0  }
0x14: {  	s2 =	sld [smem:$0x3F96];
	s0 =	simm.s32 @p1 $0x1  }
0x15: {  	[smem:$0x3FB3] =	sst s0;
	s0 =	simm.s32 @!p2 $0x0  }
0x16: {  	s3 =	sld [smem:$0x3FDB];
	s0 =	simm.s32 @p2 $0x1  }
0x17: {  	s4 =	simm.s32 $0x1BF5;
	[smem:$0x3FB5] =	sst s0  }
0x18: {  	s0 =	sld [smem:$0x3F98];
	_ =	swait.ge [sflag:s4], $0x0  }
0x19: {  	s7 =	sld [smem:$0x3F99]  }
0x1a: {  	s8 =	sadd.s32 $0xFFFFE003, lr  }
0x1b: {  	s9 =	sadd.s32 $0xFFFFFEF7, lr;
	s5 =	simm.s32 $0xFFFFFFFF;
	p2 =	slt.u32 s8, $0xFFFFF086  }
0x1c: {  	p1 =	slt.u32 s9, $0xF7A;
	s5 =	simm.s32 @!p2 $0x0  }
0x1d: {  	s5 =	simm.s32 @p1 $0x1;
	p0 =	seq.s32 s7, s2  }
0x1e: {  	s7 =	smul.u32 @!p0 $0xF7A, s2;
	p2 =	seq.s32 @!p0 s5, $0x0  }
0x1f: {  	s9 =	smul.u32 $0xF7A, s1;
	s8 =	simm.s32 @!p0 $0x1BF5;
	p2 =	por !p2, p0  }
0x20: {  	[sflag:s8] =	ssyncset.s32 @!p0 $0xFFFFF086;
	s6 =	sadd.s32 @!p0 s3, s7;
	s7 =	simm.s32 @!p0 $0x108  }
0x21: {  	s3 =	sadd.s32 s3, s9;
	s6 =	sadd.s32 @!p0 $0x88, s6;
	s7 =	simm.s32 @p2 $0x1082  }
0x22: {  	[simem:s7], [sflag:s8] =	dma.local @!p0 [hbm:s6], $0xF7A  }
0x23: {  	s9 =	sor.u32 $0xD0000000, s2;
	s6 =	simm.s32 $0x108;
	_ =	swait.ge @!p0 [sflag:s8], $0x0  }
0x24: {  	s3 =	sadd.s32 $0x88, s3;
	s6 =	simm.s32 @!p1 $0x1082;
	[sflag:s4] =	ssyncset.s32 $0xFFFFF086  }
0x25: {  	[simem:s6], [sflag:s4] =	dma.local [hbm:s3], $0xF7A  }
0x26: {  	[smem:$0x3F99] =	sst s1;
	(tag) =	ssettag s2;
	_ =	strace s9  }
0x27: {  	s1 =	sld [smem:$0x3FA9]  }
0x28: {  	s2 =	sld [smem:$0x3FAA]  }
0x29: {  	s4 =	sld [smem:$0x3FAC]  }
0x2a: {  	p0 =	seq.s32 s5, $0x0;
	s5 =	sld [smem:$0x3FAD]  }
0x2b: {  	s6 =	sld [smem:$0x3FAE]  }
0x2c: {  	s7 =	sld [smem:$0x3FAF]  }
0x2d: {  	s3 =	simm.s32 $0x108;
	s8 =	sld [smem:$0x3FB0]  }
0x2e: {  	s3 =	simm.s32 @!p0 $0x1082;
	s9 =	sld [smem:$0x3FB1]  }
0x2f: {  	lr =	sadd.s32 s0, s3;
	s0 =	sld [smem:$0x3FA8]  }
0x30: {  	s3 =	sld [smem:$0x3FAB]  }
0x31: {  	[smem:$0x3FB4] =	sst s10  }
0x32: {  	s10 =	sld [smem:$0x3FB2];
	_ =	sdelay $0x3  }
0x33: {  	p0 =	seq.s32 s10, $0x1;
	s10 =	sld [smem:$0x3FB4];
	_ =	sdelay $0x3  }
0x34: {  	[smem:$0x3FB4] =	sst s10  }
0x35: {  	s10 =	sld [smem:$0x3FB3];
	_ =	sdelay $0x3  }
0x36: {  	p1 =	seq.s32 s10, $0x1;
	s10 =	sld [smem:$0x3FB4];
	_ =	sdelay $0x3  }
0x37: {  	[smem:$0x3FB4] =	sst s10  }
0x38: {  	s10 =	sld [smem:$0x3FB5]  }
0x39: {  	_ = 	snop;
	(pc) =	sbr.ind lr, $3  }
0x3a: {  	_ = 	snop  }
0x3b: {  	_ = 	snop  }
0x3c: {  	p2 =	seq.s32 s10, $0x1;
	s10 =	sld [smem:$0x3FB4]  }
0x3d: {  	_ =	shalt  }
0x3e: {  	_ =	shalt  }
0x3f: {  	_ =	shalt  }
0x40: {  	_ =	shalt  }
0x41: {  	_ =	shalt  }
0x42: {  	_ =	shalt  }
0x43: {  	_ =	shalt  }
0x44: {  	_ =	shalt  }
0x45: {  	_ =	shalt  }
0x46: {  	_ =	shalt  }
0x47: {  	_ =	shalt  }
0x48: {  	_ =	shalt  }
0x49: {  	_ =	shalt  }
0x4a: {  	_ =	shalt  }
0x4b: {  	_ =	shalt  }
0x4c: {  	_ =	shalt  }
0x4d: {  	_ =	shalt  }
0x4e: {  	_ =	shalt  }
0x4f: {  	_ =	shalt  }
0x50: {  	_ =	shalt  }
0x51: {  	_ =	shalt  }
0x52: {  	_ =	shalt  }
0x53: {  	_ =	shalt  }
0x54: {  	_ =	shalt  }
0x55: {  	_ =	shalt  }
0x56: {  	_ =	shalt  }
0x57: {  	_ =	shalt  }
0x58: {  	_ =	shalt  }
0x59: {  	_ =	shalt  }
0x5a: {  	_ =	shalt  }
0x5b: {  	_ =	shalt  }
0x5c: {  	_ =	shalt  }
0x5d: {  	_ =	shalt  }
0x5e: {  	_ =	shalt  }
0x5f: {  	_ =	shalt  }
0x60: {  	_ =	shalt  }
0x61: {  	_ =	shalt  }
0x62: {  	_ =	shalt  }
0x63: {  	_ =	shalt  }
0x64: {  	_ =	shalt  }
0x65: {  	_ =	shalt  }
0x66: {  	_ =	shalt  }
0x67: {  	_ =	shalt  }
0x68: {  	_ =	shalt  }
0x69: {  	_ =	shalt  }
0x6a: {  	_ =	shalt  }
0x6b: {  	_ =	shalt  }
0x6c: {  	_ =	shalt  }
0x6d: {  	_ =	shalt  }
0x6e: {  	_ =	shalt  }
0x6f: {  	_ =	shalt  }
0x70: {  	_ =	shalt  }
0x71: {  	_ =	shalt  }
0x72: {  	_ =	shalt  }
0x73: {  	_ =	shalt  }
0x74: {  	_ =	shalt  }
0x75: {  	_ =	shalt  }
0x76: {  	_ =	shalt  }
0x77: {  	_ =	shalt  }
0x78: {  	_ =	shalt  }
0x79: {  	_ =	shalt  }
0x7a: {  	_ =	shalt  }
0x7b: {  	_ =	shalt  }
0x7c: {  	_ =	shalt  }
0x7d: {  	_ =	shalt  }
0x7e: {  	_ =	shalt  }
0x7f: {  	_ =	shalt  }
0x80: {  	_ =	shalt  }
0x81: {  	_ =	shalt  }
0x82: {  	_ =	shalt  }
0x83: {  	_ =	shalt  }
0x84: {  	_ =	shalt  }
0x85: {  	_ =	shalt  }
0x86: {  	_ =	shalt  }
0x87: {  	_ =	shalt  }
.Lfunc_end0:
.L_simem_size_0:
called_computation.2_lowered:
.L_overlay_start_0:
0x88: {  	s2 =	sld [smem:$0x3FD9]  }
0x89: {  	s3 =	sld [smem:$0x3FFE];
	_ =	sdelay $0x1  }
0x8a: {  	s1 =	srdreg.scid  }
0x8b: {  	s0 =	sand.u32 $0x1, s1  }
0x8c: {  	s16 =	sshll.u32 s0, $0xA;
	s2 =	sadd.s32 s3, s2  }
0x8d: {  	s2 =	sadd.s32 s2, s16  }
0x8e: {  	[smem:$0x3FC0] =	sst s2  }
0x8f: {  	_ = 	snop  }
0x90: {  	(tm) =	ssettm $0x1  }
0x91: {  	s17 =	sld [smem:$0x3FFB];
	_ =	sdelay $0x3  }
0x92: {  	_ =	strace s17  }
0x93: {  	s2 =	sld [smem:$0x3FFC];
	_ =	sdelay $0x3  }
0x94: {  	_ =	strace s2  }
0x95: {  	s2 =	sld [smem:$0x3FFD];
	_ =	sdelay $0x3  }
0x96: {  	_ =	strace s2  }
0x97: {  	_ =	strace $0x8FFFFFFF  }
0x98: {  	s18 =	sld [smem:$0x3FDB];
	_ =	sdelay $0x1  }
0x99: {  	s19 =	simm.s32 $_scs_section_size  }
0x9a: {  	s4 =	simm.s32 $_size__tile_overlayer_lowered;
	s5 =	simm.s32 $_tile_overlayer_lowered  }
0x9b: {  	s22 =	simm.s32 $0x1BFF;
	s21 =	sshll.u32 s5, $0x1;
	s2 =	sadd.s32 s19, s18  }
0x9c: {  	s6 =	simm.s32 $0x0;
	s20 =	sshll.u32 s4, $0x1;
	s4 =	sadd.s32 s21, s2  }
0x9d: {  	[timem:s6], [sflag:s22] =	dma.local [hbm:s4], s20  }
0x9e: {  	_ =	swait.ge [sflag:s22], s20  }
0x9f: {  	s3 =	ssub.s32 $0x0, s20;
	[sflag:s22] =	ssyncset.done $0x0  }
0xa0: {  	[sflag:s22] =	ssyncadd.s32 s3;
	_ =	sdelay $0x1  }
0xa1: {  	s23 =	simm.s32 $0x1B8B  }
0xa2: {  	_ =	swait.ge [sflag:s23], $0x1  }
0xa3: {  	[sflag:s23] =	ssyncset.done $0x0  }
0xa4: {  	s25 =	simm.s32 $0x1B8E;
	s24 =	sld [smem:$0x3FFE];
	[sflag:s23] =	ssyncadd.s32 $0xFFFFFFFF  }
0xa5: {  	s26 =	simm.s32 $execute0_lowered;
	[smem:$0x3FD2] =	sst s25  }
0xa6: {  	s4 =	sshll.u32 s26, $0x1;
	_ =	strace $0x8000004C;
	[dreg:$0x1] =	wrdreg $0xFFFFFFFF  }
0xa7: {  	s28 =	simm.s32 $_size_execute0_lowered;
	s2 =	sadd.s32 s2, s4;
	[dreg:$0x0] =	wrdreg $0x0  }
0xa8: {  	s4 =	sshll.u32 s28, $0x1;
	[dreg:$0x2] =	wrdreg s2  }
0xa9: {  	[dreg:$0x3] =	wrdreg s4  }
0xaa: {  	[dreg:$0x4] =	wrdreg $0xC0  }
0xab: {  	_ =	task [dreg:s6], $0x5FFFF  }
0xac: {  	[dreg:$0x1] =	wrdreg $0xFFFFFFFF  }
0xad: {  	[dreg:$0x0] =	wrdreg $0x60  }
0xae: {  	[dreg:$0x2] =	wrdreg s24  }
0xaf: {  	[dreg:$0x3] =	wrdreg $0x0  }
0xb0: {  	[dreg:$0x4] =	wrdreg $0x9  }
0xb1: {  	_ =	task.clear_ibuf [dreg:s6], $0x5FFFF;
	_ =	strace $0x9000004C  }
0xb2: {  	s29 =	simm.s32 $0x9;
	_ =	strace $0x8000004E  }
0xb3: {  	_ =	swait.ge [sflag:s29], $0x1  }
0xb4: {  	[sflag:s29] =	ssyncadd.s32 $0xFFFFFFFF  }
0xb5: {  	_ =	strace $0x9000004E  }
0xb6: {  	_ =	sfence  }
0xb7: {  	s30 =	sld [smem:$0x0];
	_ =	sdelay $0x2  }
0xb8: {  	s31 =	sshll.u32 s1, $0xD;
	s1 =	sshrl.u32 s1, $0x2  }
0xb9: {  	s3 =	sand.u32 $0x4000, s31;
	s1 =	sadd.s32 s1, s30  }
0xba: {  	s0 =	sor.u32 s3, s0;
	s1 =	sshll.u32 s1, $0x11  }
0xbb: {  	s0 =	sor.u32 s1, s0  }
0xbc: {  	s0 =	sadd.s32 $0x8F2B, s0  }
0xbd: {  	[sflag:s0] =	ssyncadd.remote.s32 $0x1  }
0xbe: {  	_ =	sfence.sel $0xFFFF  }
0xbf: {  	[dreg:$0x0] =	wrdreg $0xFFFFFFFF;
	(pc) =	sbr.abs _section_cstart, $3  }
0xc0: {  	[dreg:$0x1] =	wrdreg $0xFFFFFFFF  }
0xc1: {  	_ =	task.clear_ibuf [dreg:s6], $0x2FFFF;
	_ =	strace $0x9FFFFFFF  }
0xc2: {  	(tm) =	ssettm $0x7FFFFFFF  }
0xc3: {  	_ =	shalt  }
tec
execute0_lowered:
.L_overlay_start_1:
0x0: {  	(tag) =	ssettag $0x1  }
0x1: {  	s0 =	rddreg [dreg:$0x0]  }
0x2: {  	s1 =	rddreg [dreg:$0x1]  }
0x3: {  	s2 =	simm.s32 $0x0;
	s3 =	srdreg.scid;
	s12 =	stileid.u32  }
0x4: {  	s28 =	simm.s32 $0x1C080;
	s29 =	simm.s32 $0x1C180;
	s30 =	simm.s32 $0x1  }
0x5: {  	s31 =	simm.s32 $0x18000;
	[smem:$0x7FF] =	sst s2;
	s3 =	sand.u32 $0x1, s3  }
0x6: {  	s4 =	sadd.s32 $0xE600, s0;
	s5 =	sadd.s32 $0x5EE00, s0;
	s8 =	smul.u32 $0x14000, s12  }
0x7: {  	s6 =	sadd.s32 $0x2000, s0;
	s9 =	sadd.s32 $0xBE00, s0;
	s19 =	smul.u32 $0x50000, s12  }
0x8: {  	s22 =	sshll.u32 s12, $0x6;
	s14 =	smul.u32 $0x2780, s12;
	_ =	strace $0x8000004D  }
0x9: {  	s7 =	smul.u32 $0x140000, s3;
	[dreg:$0x3] =	wrdreg s9;
	s17 =	sshll.u32 s3, $0x4  }
0xa: {  	s10 =	ssub.s32 $0x2, s3;
	s3 =	smul.u32 $0x27800, s3;
	s18 =	sor.u32 s12, s17  }
0xb: {  	s20 =	sshrl.u32 s10, $0x1;
	s9 =	sshrl.u32 s19, $0x2;
	s7 =	sadd.s32 s8, s7  }
0xc: {  	s8 =	smul.u32 $0x2780, s18;
	s9 =	sadd.s32 s9, s1;
	s3 =	sadd.s32 s14, s3  }
0xd: {  	s7 =	sshrl.u32 s7, $0x3;
	s25 =	sadd.s32 $0x180, s3;
	s17 =	sadd.s32 $0x100, s3  }
0xe: {  	s3 =	simm.s32 $0x0;
	s0 =	sadd.s32 s7, s0;
	s7 =	ssub.s32 s10, s20  }
0xf: {  	s21 =	sshrl.u32 s8, $0x3;
	s8 =	sor.u32 $0x1C04, s22;
	s26 =	sshrl.u32 s25, $0x3  }
0x10: {  	s20 =	sshrl.u32 s9, $0x3;
	s22 =	simm.s32 $0x1C000;
	s25 =	simm.s32 $0x80  }
0x11: {  	s11 =	sadd.s32 $0x4E0, s21;
	s0 =	sadd.s32 $0x68C00, s0;
	s23 =	smax.u32 s7, $0x1  }
0x12: {  	s24 =	sadd.s32 $0x10, s21;
	s14 =	sadd.s32 s6, s21;
	s18 =	sadd.s32 s26, s6  }
0x13: {  	s19 =	sadd.s32 s26, s5;
	s26 =	simm.s32 $0x14000;
	[dreg:$0x6] =	wrdreg s0  }
0x14: {  	s13 =	sadd.s32 s5, s11;
	s11 =	sadd.s32 s6, s11;
	[dreg:$0x7] =	wrdreg s23  }
0x15: {  	s15 =	sadd.s32 s5, s24;
	s16 =	sadd.s32 s6, s24;
	s23 =	simm.s32 $0x1C100  }
0x16: {  	s24 =	simm.s32 $0x3;
	s0 =	simm.s32 $0x2;
	[dreg:$0x4] =	wrdreg s13  }
0x17: {  	[dreg:$0x5] =	wrdreg s11;
	s13 =	sadd.s32 s5, s21;
	s21 =	simm.s32 $0x4  }
.LBB2_1:
0x18: {  	s7 =	rddreg [dreg:$0x3]  }
0x19: {  	[spmem:s20], [sflag:s8] =	dma.local [hbm:s7], $0x2800  }
0x1a: {  	_ =	swait.ge [sflag:s21], $0x2800  }
0x1b: {  	[sflag:s21] =	ssyncset.done $0x0  }
0x1c: {  	[sflag:s21] =	ssyncadd.s32 $0xFFFFD800  }
0x1d: {  	[bflag:$0x0] =	sbarrier.arrive $0xFFFF  }
0x1e: {  	[tilespmem:s22], [sflag:$0x3] =	stream.linear.gather [hbm4b:s13+s2], $0x80, $0x38;
	[tilespmem:$0x1C200] =	vst v63  }
0x1f: {  	_ = 	snop  }
0x20: {  	[tilespmem:s23], [sflag:$0x3] =	stream.linear.gather [hbm4b:s14+s2], $0x80, $0x38;
	[tilespmem:$0x1C200] =	vst v63  }
0x21: {  	_ =	swait.ge [sflag:s24], $0x80  }
0x22: {  	[sflag:s24] =	ssyncset.done $0x0  }
0x23: {  	[sflag:s24] =	ssyncadd.s32 $0xFFFFFF80  }
0x24: {  	_ =	swait.ge [sflag:s24], $0x80  }
0x25: {  	[sflag:s24] =	ssyncset.done $0x0  }
0x26: {  	[sflag:s24] =	ssyncadd.s32 $0xFFFFFF80  }
0x27: {  	[tilespmem:s26], [sflag:$0x1] =	stream.indirect.gather [hbm4b:s4+s25], $0x80, s22, s25, $0xb8;
	[tilespmem:$0x1C200] =	vst v63  }
0x28: {  	_ = 	snop  }
0x29: {  	[tilespmem:s28], [sflag:$0x3] =	stream.linear.gather [hbm4b:s15+s2], $0x80, $0x38;
	[tilespmem:$0x1C200] =	vst v63  }
0x2a: {  	_ = 	snop  }
0x2b: {  	[tilespmem:s29], [sflag:$0x3] =	stream.linear.gather [hbm4b:s16+s2], $0x80, $0x38;
	[tilespmem:$0x1C200] =	vst v63  }
0x2c: {  	_ =	swait.ge [sflag:s24], $0x80  }
0x2d: {  	[sflag:s24] =	ssyncset.done $0x0  }
0x2e: {  	[sflag:s24] =	ssyncadd.s32 $0xFFFFFF80  }
0x2f: {  	_ =	swait.ge [sflag:s24], $0x80  }
0x30: {  	[sflag:s24] =	ssyncset.done $0x0  }
0x31: {  	[sflag:s24] =	ssyncadd.s32 $0xFFFFFF80  }
0x32: {  	_ =	swait.ge [sflag:s30], $0x4000  }
0x33: {  	[sflag:s30] =	ssyncset.done $0x0  }
0x34: {  	[sflag:s30] =	ssyncadd.s32 $0xFFFFC000  }
0x35: {  	[tilespmem:s31], [sflag:$0x1] =	stream.indirect.gather [hbm4b:s4+s25], $0x80, s28, s25, $0xb8;
	[tilespmem:$0x1C200] =	vst v63  }
0x36: {  	_ = 	snop  }
0x37: {  	[spmem:s1] =	stream.indirect.scatter.add.f32 [tilespmem:s26], [sflag:$0x2], $0x80, s23, s25, $0xb8;
	[tilespmem:$0x1C200] =	vst v63  }
0x38: {  	_ =	swait.ge [sflag:s30], $0x4000  }
0x39: {  	[sflag:s30] =	ssyncset.done $0x0  }
0x3a: {  	[sflag:s30] =	ssyncadd.s32 $0xFFFFC000  }
0x3b: {  	[spmem:s1] =	stream.indirect.scatter.add.f32 [tilespmem:s31], [sflag:$0x2], $0x80, s29, s25, $0xb8;
	[tilespmem:$0x1C200] =	vst v63  }
0x3c: {  	_ =	swait.ge [sflag:s0], $0x4000  }
0x3d: {  	s10 =	sshrl.u32 s17, $0x3;
	[sflag:s0] =	ssyncset.done $0x0  }
0x3e: {  	s9 =	sadd.s32 s5, s10;
	[sflag:s0] =	ssyncadd.s32 $0xFFFFC000  }
0x3f: {  	[tilespmem:s22], [sflag:$0x3] =	stream.linear.gather [hbm4b:s9+s2], $0x80, $0x38;
	[tilespmem:$0x1C200] =	vst v63  }
0x40: {  	s7 =	sadd.s32 s6, s10  }
0x41: {  	[tilespmem:s23], [sflag:$0x3] =	stream.linear.gather [hbm4b:s7+s2], $0x80, $0x38;
	[tilespmem:$0x1C200] =	vst v63  }
0x42: {  	_ =	swait.ge [sflag:s24], $0x80  }
0x43: {  	[sflag:s24] =	ssyncset.done $0x0  }
0x44: {  	[sflag:s24] =	ssyncadd.s32 $0xFFFFFF80  }
0x45: {  	_ =	swait.ge [sflag:s24], $0x80  }
0x46: {  	[sflag:s24] =	ssyncset.done $0x0  }
0x47: {  	[sflag:s24] =	ssyncadd.s32 $0xFFFFFF80  }
0x48: {  	[tilespmem:s26], [sflag:$0x1] =	stream.indirect.gather [hbm4b:s4+s25], $0x80, s22, s25, $0xb8;
	[tilespmem:$0x1C200] =	vst v63  }
0x49: {  	_ =	swait.ge [sflag:s0], $0x4000  }
0x4a: {  	[sflag:s0] =	ssyncset.done $0x0  }
0x4b: {  	s11 =	sadd.s32 $0x0, s19;
	[sflag:s0] =	ssyncadd.s32 $0xFFFFC000  }
0x4c: {  	[tilespmem:s28], [sflag:$0x3] =	stream.linear.gather [hbm4b:s11+s2], $0x80, $0x38;
	[tilespmem:$0x1C200] =	vst v63  }
0x4d: {  	s12 =	sadd.s32 $0x0, s18  }
0x4e: {  	[tilespmem:s29], [sflag:$0x3] =	stream.linear.gather [hbm4b:s12+s2], $0x80, $0x38;
	[tilespmem:$0x1C200] =	vst v63  }
0x4f: {  	_ =	swait.ge [sflag:s24], $0x80  }
0x50: {  	[sflag:s24] =	ssyncset.done $0x0  }
0x51: {  	[sflag:s24] =	ssyncadd.s32 $0xFFFFFF80  }
0x52: {  	_ =	swait.ge [sflag:s24], $0x80  }
0x53: {  	[sflag:s24] =	ssyncset.done $0x0  }
0x54: {  	[sflag:s24] =	ssyncadd.s32 $0xFFFFFF80  }
0x55: {  	_ =	swait.ge [sflag:s30], $0x4000  }
0x56: {  	[sflag:s30] =	ssyncset.done $0x0  }
0x57: {  	[sflag:s30] =	ssyncadd.s32 $0xFFFFC000  }
0x58: {  	[tilespmem:s31], [sflag:$0x1] =	stream.indirect.gather [hbm4b:s4+s25], $0x80, s28, s25, $0xb8;
	[tilespmem:$0x1C200] =	vst v63  }
0x59: {  	_ = 	snop  }
0x5a: {  	[spmem:s1] =	stream.indirect.scatter.add.f32 [tilespmem:s26], [sflag:$0x2], $0x80, s23, s25, $0xb8;
	[tilespmem:$0x1C200] =	vst v63  }
0x5b: {  	_ =	swait.ge [sflag:s30], $0x4000  }
0x5c: {  	[sflag:s30] =	ssyncset.done $0x0  }
0x5d: {  	[sflag:s30] =	ssyncadd.s32 $0xFFFFC000  }
0x5e: {  	[spmem:s1] =	stream.indirect.scatter.add.f32 [tilespmem:s31], [sflag:$0x2], $0x80, s29, s25, $0xb8;
	[tilespmem:$0x1C200] =	vst v63  }
0x5f: {  	s10 =	simm.s32 $0x40;
	s9 =	sadd.s32 $0x100, s17;
	_ =	swait.ge [sflag:s0], $0x4000  }
0x60: {  	s7 =	simm.s32 $0x20;
	s11 =	sshrl.u32 s9, $0x3;
	[sflag:s0] =	ssyncset.done $0x0  }
.LBB2_2:
0x61: {  	p0 =	sne.s32 s10, $0x4A0;
	s12 =	sadd.s32 s5, s11;
	[sflag:s0] =	ssyncadd.s32 $0xFFFFC000  }
0x62: {  	[tilespmem:s22], [sflag:$0x3] =	stream.linear.gather [hbm4b:s12+s2], $0x80, $0x38;
	[tilespmem:$0x1C200] =	vst v63  }
0x63: {  	s11 =	sadd.s32 s6, s11;
	s12 =	smov.u32 s10;
	s10 =	sadd.s32 $0x20, s10  }
0x64: {  	[tilespmem:s23], [sflag:$0x3] =	stream.linear.gather [hbm4b:s11+s2], $0x80, $0x38;
	[tilespmem:$0x1C200] =	vst v63  }
0x65: {  	_ =	swait.ge [sflag:s24], $0x80  }
0x66: {  	[sflag:s24] =	ssyncset.done $0x0  }
0x67: {  	[sflag:s24] =	ssyncadd.s32 $0xFFFFFF80  }
0x68: {  	_ =	swait.ge [sflag:s24], $0x80  }
0x69: {  	[sflag:s24] =	ssyncset.done $0x0  }
0x6a: {  	[sflag:s24] =	ssyncadd.s32 $0xFFFFFF80  }
0x6b: {  	[tilespmem:s26], [sflag:$0x1] =	stream.indirect.gather [hbm4b:s4+s25], $0x80, s22, s25, $0xb8;
	[tilespmem:$0x1C200] =	vst v63  }
0x6c: {  	_ =	swait.ge [sflag:s0], $0x4000  }
0x6d: {  	[sflag:s0] =	ssyncset.done $0x0  }
0x6e: {  	s11 =	sadd.s32 s7, s19;
	[sflag:s0] =	ssyncadd.s32 $0xFFFFC000  }
0x6f: {  	[tilespmem:s28], [sflag:$0x3] =	stream.linear.gather [hbm4b:s11+s2], $0x80, $0x38;
	[tilespmem:$0x1C200] =	vst v63  }
0x70: {  	s11 =	sadd.s32 s7, s18;
	s7 =	smov.u32 s12  }
0x71: {  	[tilespmem:s29], [sflag:$0x3] =	stream.linear.gather [hbm4b:s11+s2], $0x80, $0x38;
	[tilespmem:$0x1C200] =	vst v63  }
0x72: {  	_ =	swait.ge [sflag:s24], $0x80  }
0x73: {  	[sflag:s24] =	ssyncset.done $0x0  }
0x74: {  	[sflag:s24] =	ssyncadd.s32 $0xFFFFFF80  }
0x75: {  	_ =	swait.ge [sflag:s24], $0x80  }
0x76: {  	[sflag:s24] =	ssyncset.done $0x0  }
0x77: {  	[sflag:s24] =	ssyncadd.s32 $0xFFFFFF80  }
0x78: {  	_ =	swait.ge [sflag:s30], $0x4000  }
0x79: {  	[sflag:s30] =	ssyncset.done $0x0  }
0x7a: {  	[sflag:s30] =	ssyncadd.s32 $0xFFFFC000  }
0x7b: {  	[tilespmem:s31], [sflag:$0x1] =	stream.indirect.gather [hbm4b:s4+s25], $0x80, s28, s25, $0xb8;
	[tilespmem:$0x1C200] =	vst v63  }
0x7c: {  	_ = 	snop  }
0x7d: {  	[spmem:s1] =	stream.indirect.scatter.add.f32 [tilespmem:s26], [sflag:$0x2], $0x80, s23, s25, $0xb8;
	[tilespmem:$0x1C200] =	vst v63  }
0x7e: {  	_ =	swait.ge [sflag:s30], $0x4000  }
.Ltmp0:
0x7f: {  	[sflag:s30] =	ssyncset.done $0x0;
	(pc) =	sbr.rel @p0 .LBB2_2-.Ltmp0, $4  }
0x80: {  	[sflag:s30] =	ssyncadd.s32 $0xFFFFC000  }
0x81: {  	[spmem:s1] =	stream.indirect.scatter.add.f32 [tilespmem:s31], [sflag:$0x2], $0x80, s29, s25, $0xb8;
	[tilespmem:$0x1C200] =	vst v63  }
0x82: {  	s9 =	sadd.s32 $0x100, s9;
	_ =	swait.ge [sflag:s0], $0x4000  }
0x83: {  	s11 =	sshrl.u32 s9, $0x3;
	[sflag:s0] =	ssyncset.done $0x0  }
0x84: {  	s9 =	sadd.s32 s5, s11;
	[sflag:s0] =	ssyncadd.s32 $0xFFFFC000  }
0x85: {  	[tilespmem:s22], [sflag:$0x3] =	stream.linear.gather [hbm4b:s9+s2], $0x80, $0x38;
	[tilespmem:$0x1C200] =	vst v63  }
0x86: {  	s10 =	sadd.s32 s6, s11  }
0x87: {  	[tilespmem:s23], [sflag:$0x3] =	stream.linear.gather [hbm4b:s10+s2], $0x80, $0x38;
	[tilespmem:$0x1C200] =	vst v63  }
0x88: {  	_ =	swait.ge [sflag:s24], $0x80  }
0x89: {  	[sflag:s24] =	ssyncset.done $0x0  }
0x8a: {  	[sflag:s24] =	ssyncadd.s32 $0xFFFFFF80  }
0x8b: {  	_ =	swait.ge [sflag:s24], $0x80  }
0x8c: {  	[sflag:s24] =	ssyncset.done $0x0  }
0x8d: {  	[sflag:s24] =	ssyncadd.s32 $0xFFFFFF80  }
0x8e: {  	[tilespmem:s26], [sflag:$0x1] =	stream.indirect.gather [hbm4b:s4+s25], $0x80, s22, s25, $0xb8;
	[tilespmem:$0x1C200] =	vst v63  }
0x8f: {  	_ =	swait.ge [sflag:s0], $0x4000  }
0x90: {  	[sflag:s0] =	ssyncset.done $0x0  }
0x91: {  	s11 =	sadd.s32 s7, s19;
	[sflag:s0] =	ssyncadd.s32 $0xFFFFC000  }
0x92: {  	[tilespmem:s28], [sflag:$0x3] =	stream.linear.gather [hbm4b:s11+s2], $0x80, $0x38;
	[tilespmem:$0x1C200] =	vst v63  }
0x93: {  	s12 =	sadd.s32 s7, s18  }
0x94: {  	[tilespmem:s29], [sflag:$0x3] =	stream.linear.gather [hbm4b:s12+s2], $0x80, $0x38;
	[tilespmem:$0x1C200] =	vst v63  }
0x95: {  	_ =	swait.ge [sflag:s24], $0x80  }
0x96: {  	[sflag:s24] =	ssyncset.done $0x0  }
0x97: {  	[sflag:s24] =	ssyncadd.s32 $0xFFFFFF80  }
0x98: {  	_ =	swait.ge [sflag:s24], $0x80  }
0x99: {  	[sflag:s24] =	ssyncset.done $0x0  }
0x9a: {  	[sflag:s24] =	ssyncadd.s32 $0xFFFFFF80  }
0x9b: {  	_ =	swait.ge [sflag:s30], $0x4000  }
0x9c: {  	[sflag:s30] =	ssyncset.done $0x0  }
0x9d: {  	[sflag:s30] =	ssyncadd.s32 $0xFFFFC000  }
0x9e: {  	[tilespmem:s31], [sflag:$0x1] =	stream.indirect.gather [hbm4b:s4+s25], $0x80, s28, s25, $0xb8;
	[tilespmem:$0x1C200] =	vst v63  }
0x9f: {  	_ = 	snop  }
0xa0: {  	[spmem:s1] =	stream.indirect.scatter.add.f32 [tilespmem:s26], [sflag:$0x2], $0x80, s23, s25, $0xb8;
	[tilespmem:$0x1C200] =	vst v63  }
0xa1: {  	_ =	swait.ge [sflag:s30], $0x4000  }
0xa2: {  	[sflag:s30] =	ssyncset.done $0x0  }
0xa3: {  	[sflag:s30] =	ssyncadd.s32 $0xFFFFC000  }
0xa4: {  	[spmem:s1] =	stream.indirect.scatter.add.f32 [tilespmem:s31], [sflag:$0x2], $0x80, s29, s25, $0xb8;
	[tilespmem:$0x1C200] =	vst v63  }
0xa5: {  	_ =	swait.ge [sflag:s0], $0x4000  }
0xa6: {  	[sflag:s0] =	ssyncset.done $0x0  }
0xa7: {  	[sflag:s0] =	ssyncadd.s32 $0xFFFFC000  }
0xa8: {  	_ =	swait.ge [sflag:s0], $0x4000  }
0xa9: {  	[sflag:s0] =	ssyncset.done $0x0  }
0xaa: {  	s9 =	rddreg [dreg:$0x4];
	[sflag:s0] =	ssyncadd.s32 $0xFFFFC000  }
0xab: {  	[tilespmem:s22], [sflag:$0x4] =	stream.linear.gather [hbm4b:s9+s2], $0x80, $0x38;
	[tilespmem:$0x1C200] =	vst v63  }
0xac: {  	_ =	swait.ge [sflag:s21], $0x80  }
0xad: {  	[sflag:s21] =	ssyncset.done $0x0  }
0xae: {  	s10 =	rddreg [dreg:$0x5];
	[sflag:s21] =	ssyncadd.s32 $0xFFFFFF80  }
0xaf: {  	[tilespmem:s23], [sflag:$0x4] =	stream.linear.gather [hbm4b:s10+s2], $0x80, $0x38;
	[tilespmem:$0x1C200] =	vst v63  }
0xb0: {  	_ =	swait.ge [sflag:s21], $0x80  }
0xb1: {  	[sflag:s21] =	ssyncset.done $0x0  }
0xb2: {  	[sflag:s21] =	ssyncadd.s32 $0xFFFFFF80  }
0xb3: {  	[tilespmem:s26], [sflag:$0x4] =	stream.indirect.gather [hbm4b:s4+s25], $0x80, s22, s25, $0xb8;
	[tilespmem:$0x1C200] =	vst v63  }
0xb4: {  	_ =	swait.ge [sflag:s21], $0x4000  }
0xb5: {  	[sflag:s21] =	ssyncset.done $0x0  }
0xb6: {  	[sflag:s21] =	ssyncadd.s32 $0xFFFFC000  }
0xb7: {  	[spmem:s1] =	stream.indirect.scatter.add.f32 [tilespmem:s26], [sflag:$0x4], $0x80, s23, s25, $0xb8;
	[tilespmem:$0x1C200] =	vst v63  }
0xb8: {  	_ =	swait.ge [sflag:s21], $0x4000  }
0xb9: {  	[sflag:s21] =	ssyncset.done $0x0  }
0xba: {  	[sflag:s21] =	ssyncadd.s32 $0xFFFFC000  }
0xbb: {  	[bflag:$0x0] =	sbarrier.arrive $0xFFFF  }
0xbc: {  	s11 =	rddreg [dreg:$0x6]  }
0xbd: {  	[hbm:s11], [sflag:s8] =	dma.local [spmem:s20], $0x2800  }
0xbe: {  	_ =	swait.ge [sflag:s21], $0x2800  }
0xbf: {  	s3 =	sadd.s32 $0x1, s3;
	s12 =	rddreg [dreg:$0x7]  }
0xc0: {  	p0 =	sne.s32 s3, s12  }
.Ltmp1:
0xc1: {  	_ = 	snop;
	(pc) =	sbr.rel @p0 .LBB2_1-.Ltmp1, $3  }
0xc2: {  	_ =	sdelay $0x1  }
0xc3: {  	[sflag:s21] =	ssyncset.done $0x0  }
0xc4: {  	[sflag:s21] =	ssyncadd.s32 $0xFFFFD800  }
0xc5: {  	_ =	sfence.sel $0x180000  }
0xc6: {  	[bflag:$0x0] =	sbarrier.arrive $0xFFFF  }
0xc7: {  	_ =	strace $0x9000004D  }
0xc8: {  	s0 =	stileid.u32;
	[bflag:$0x2] =	sbarrier.arrive $0xFFFF  }
0xc9: {  	p0 =	sne.s32 s0, $0x0;
	s0 =	rddreg [dreg:$0x2]  }
0xca: {  	s0 =	sadd.s32 @!p0 $0x100000, s0  }
0xcb: {  	[sflag:s0] =	ssyncadd.tile.s32 @!p0 $0x1;
	_ =	shalt  }
.Lfunc_end2:
_tile_overlayer_lowered:
.L_overlay_start_2:
0xcc: {  	(tag) =	ssettag $0x2  }
0xcd: {  	s0 =	rddreg [dreg:$0x0];
	s2 =	stileid.u32  }
0xce: {  	s1 =	rddreg [dreg:$0x1];
	p0 =	sne.s32 s2, $0x0  }
0xcf: {  	s3 =	rddreg [dreg:$0x2];
	[bflag:$0x3] =	sbarrier.arrive $0xFFFF;
	s2 =	simm.s32 @!p0 $0x1C04  }
0xd0: {  	[timem:s3], [sflag:s2] =	dma.local @!p0 [hbm:s0], s1  }
0xd1: {  	s0 =	simm.s32 @!p0 $0x4  }
0xd2: {  	_ =	swait.ge @!p0 [sflag:s0], s1  }
0xd3: {  	s1 =	ssub.s32 @!p0 $0x0, s1;
	[sflag:s0] =	ssyncset.done @!p0 $0x0  }
0xd4: {  	[sflag:s0] =	ssyncadd.s32 @!p0 s1  }
0xd5: {  	[bflag:$0x3] =	sbarrier.arrive $0xFFFF  }
0xd6: {  	_ =	shalt  }

// kernel: kernel.8.cloned.1.call-start
scs
__scs_entry_jumppad:
0x0: {  	(pc) =	sbr.rel $0x88, $3  }
0x1: {  	(tag) =	ssettag $0x0;
	lr =	simm.s32 $0x1  }
0x2: {  	[smem:$0x3F99] =	sst lr;
	_ =	strace $0xD0000000  }
0x3: {  	_ = 	snop  }
0x4: {  	_ = 	snop  }
0x5: {  	_ = 	snop  }
0x6: {  	_ = 	snop  }
0x7: {  	_ = 	snop  }
__scs_overlays_trampoline_lowered:
0x8: {  	[smem:$0x3FA8] =	sst s0  }
0x9: {  	[smem:$0x3FA9] =	sst s1  }
0xa: {  	[smem:$0x3FAA] =	sst s2  }
0xb: {  	[smem:$0x3FAB] =	sst s3  }
0xc: {  	[smem:$0x3FAC] =	sst s4  }
0xd: {  	[smem:$0x3FAD] =	sst s5  }
0xe: {  	[smem:$0x3FAE] =	sst s6  }
0xf: {  	[smem:$0x3FAF] =	sst s7  }
0x10: {  	[smem:$0x3FB0] =	sst s8  }
0x11: {  	[smem:$0x3FB1] =	sst s9;
	s0 =	simm.s32 @!p0 $0x0  }
0x12: {  	s1 =	sld [smem:$0x3F97];
	s0 =	simm.s32 @p0 $0x1  }
0x13: {  	[smem:$0x3FB2] =	sst s0;
	s0 =	simm.s32 @!p1 $0x0  }
0x14: {  	s2 =	sld [smem:$0x3F96];
	s0 =	simm.s32 @p1 $0x1  }
0x15: {  	[smem:$0x3FB3] =	sst s0;
	s0 =	simm.s32 @!p2 $0x0  }
0x16: {  	s3 =	sld [smem:$0x3FDB];
	s0 =	simm.s32 @p2 $0x1  }
0x17: {  	s4 =	simm.s32 $0x1BF5;
	[smem:$0x3FB5] =	sst s0  }
0x18: {  	s0 =	sld [smem:$0x3F98];
	_ =	swait.ge [sflag:s4], $0x0  }
0x19: {  	s7 =	sld [smem:$0x3F99]  }
0x1a: {  	s8 =	sadd.s32 $0xFFFFE003, lr  }
0x1b: {  	s9 =	sadd.s32 $0xFFFFFEF7, lr;
	s5 =	simm.s32 $0xFFFFFFFF;
	p2 =	slt.u32 s8, $0xFFFFF086  }
0x1c: {  	p1 =	slt.u32 s9, $0xF7A;
	s5 =	simm.s32 @!p2 $0x0  }
0x1d: {  	s5 =	simm.s32 @p1 $0x1;
	p0 =	seq.s32 s7, s2  }
0x1e: {  	s7 =	smul.u32 @!p0 $0xF7A, s2;
	p2 =	seq.s32 @!p0 s5, $0x0  }
0x1f: {  	s9 =	smul.u32 $0xF7A, s1;
	s8 =	simm.s32 @!p0 $0x1BF5;
	p2 =	por !p2, p0  }
0x20: {  	[sflag:s8] =	ssyncset.s32 @!p0 $0xFFFFF086;
	s6 =	sadd.s32 @!p0 s3, s7;
	s7 =	simm.s32 @!p0 $0x108  }
0x21: {  	s3 =	sadd.s32 s3, s9;
	s6 =	sadd.s32 @!p0 $0x88, s6;
	s7 =	simm.s32 @p2 $0x1082  }
0x22: {  	[simem:s7], [sflag:s8] =	dma.local @!p0 [hbm:s6], $0xF7A  }
0x23: {  	s9 =	sor.u32 $0xD0000000, s2;
	s6 =	simm.s32 $0x108;
	_ =	swait.ge @!p0 [sflag:s8], $0x0  }
0x24: {  	s3 =	sadd.s32 $0x88, s3;
	s6 =	simm.s32 @!p1 $0x1082;
	[sflag:s4] =	ssyncset.s32 $0xFFFFF086  }
0x25: {  	[simem:s6], [sflag:s4] =	dma.local [hbm:s3], $0xF7A  }
0x26: {  	[smem:$0x3F99] =	sst s1;
	(tag) =	ssettag s2;
	_ =	strace s9  }
0x27: {  	s1 =	sld [smem:$0x3FA9]  }
0x28: {  	s2 =	sld [smem:$0x3FAA]  }
0x29: {  	s4 =	sld [smem:$0x3FAC]  }
0x2a: {  	p0 =	seq.s32 s5, $0x0;
	s5 =	sld [smem:$0x3FAD]  }
0x2b: {  	s6 =	sld [smem:$0x3FAE]  }
0x2c: {  	s7 =	sld [smem:$0x3FAF]  }
0x2d: {  	s3 =	simm.s32 $0x108;
	s8 =	sld [smem:$0x3FB0]  }
0x2e: {  	s3 =	simm.s32 @!p0 $0x1082;
	s9 =	sld [smem:$0x3FB1]  }
0x2f: {  	lr =	sadd.s32 s0, s3;
	s0 =	sld [smem:$0x3FA8]  }
0x30: {  	s3 =	sld [smem:$0x3FAB]  }
0x31: {  	[smem:$0x3FB4] =	sst s10  }
0x32: {  	s10 =	sld [smem:$0x3FB2];
	_ =	sdelay $0x3  }
0x33: {  	p0 =	seq.s32 s10, $0x1;
	s10 =	sld [smem:$0x3FB4];
	_ =	sdelay $0x3  }
0x34: {  	[smem:$0x3FB4] =	sst s10  }
0x35: {  	s10 =	sld [smem:$0x3FB3];
	_ =	sdelay $0x3  }
0x36: {  	p1 =	seq.s32 s10, $0x1;
	s10 =	sld [smem:$0x3FB4];
	_ =	sdelay $0x3  }
0x37: {  	[smem:$0x3FB4] =	sst s10  }
0x38: {  	s10 =	sld [smem:$0x3FB5]  }
0x39: {  	_ = 	snop;
	(pc) =	sbr.ind lr, $3  }
0x3a: {  	_ = 	snop  }
0x3b: {  	_ = 	snop  }
0x3c: {  	p2 =	seq.s32 s10, $0x1;
	s10 =	sld [smem:$0x3FB4]  }
0x3d: {  	_ =	shalt  }
0x3e: {  	_ =	shalt  }
0x3f: {  	_ =	shalt  }
0x40: {  	_ =	shalt  }
0x41: {  	_ =	shalt  }
0x42: {  	_ =	shalt  }
0x43: {  	_ =	shalt  }
0x44: {  	_ =	shalt  }
0x45: {  	_ =	shalt  }
0x46: {  	_ =	shalt  }
0x47: {  	_ =	shalt  }
0x48: {  	_ =	shalt  }
0x49: {  	_ =	shalt  }
0x4a: {  	_ =	shalt  }
0x4b: {  	_ =	shalt  }
0x4c: {  	_ =	shalt  }
0x4d: {  	_ =	shalt  }
0x4e: {  	_ =	shalt  }
0x4f: {  	_ =	shalt  }
0x50: {  	_ =	shalt  }
0x51: {  	_ =	shalt  }
0x52: {  	_ =	shalt  }
0x53: {  	_ =	shalt  }
0x54: {  	_ =	shalt  }
0x55: {  	_ =	shalt  }
0x56: {  	_ =	shalt  }
0x57: {  	_ =	shalt  }
0x58: {  	_ =	shalt  }
0x59: {  	_ =	shalt  }
0x5a: {  	_ =	shalt  }
0x5b: {  	_ =	shalt  }
0x5c: {  	_ =	shalt  }
0x5d: {  	_ =	shalt  }
0x5e: {  	_ =	shalt  }
0x5f: {  	_ =	shalt  }
0x60: {  	_ =	shalt  }
0x61: {  	_ =	shalt  }
0x62: {  	_ =	shalt  }
0x63: {  	_ =	shalt  }
0x64: {  	_ =	shalt  }
0x65: {  	_ =	shalt  }
0x66: {  	_ =	shalt  }
0x67: {  	_ =	shalt  }
0x68: {  	_ =	shalt  }
0x69: {  	_ =	shalt  }
0x6a: {  	_ =	shalt  }
0x6b: {  	_ =	shalt  }
0x6c: {  	_ =	shalt  }
0x6d: {  	_ =	shalt  }
0x6e: {  	_ =	shalt  }
0x6f: {  	_ =	shalt  }
0x70: {  	_ =	shalt  }
0x71: {  	_ =	shalt  }
0x72: {  	_ =	shalt  }
0x73: {  	_ =	shalt  }
0x74: {  	_ =	shalt  }
0x75: {  	_ =	shalt  }
0x76: {  	_ =	shalt  }
0x77: {  	_ =	shalt  }
0x78: {  	_ =	shalt  }
0x79: {  	_ =	shalt  }
0x7a: {  	_ =	shalt  }
0x7b: {  	_ =	shalt  }
0x7c: {  	_ =	shalt  }
0x7d: {  	_ =	shalt  }
0x7e: {  	_ =	shalt  }
0x7f: {  	_ =	shalt  }
0x80: {  	_ =	shalt  }
0x81: {  	_ =	shalt  }
0x82: {  	_ =	shalt  }
0x83: {  	_ =	shalt  }
0x84: {  	_ =	shalt  }
0x85: {  	_ =	shalt  }
0x86: {  	_ =	shalt  }
0x87: {  	_ =	shalt  }
.Lfunc_end0:
.L_simem_size_0:
called_computation_lowered:
.L_overlay_start_0:
0x88: {  	s2 =	sld [smem:$0x3FD9]  }
0x89: {  	s3 =	sld [smem:$0x3FFE];
	_ =	sdelay $0x1  }
0x8a: {  	s1 =	srdreg.scid  }
0x8b: {  	s0 =	sand.u32 $0x1, s1  }
0x8c: {  	s16 =	sshll.u32 s0, $0xA;
	s2 =	sadd.s32 s3, s2  }
0x8d: {  	s2 =	sadd.s32 s2, s16  }
0x8e: {  	[smem:$0x3FC0] =	sst s2  }
0x8f: {  	_ = 	snop  }
0x90: {  	(tm) =	ssettm $0x1  }
0x91: {  	s17 =	sld [smem:$0x3FFB];
	_ =	sdelay $0x3  }
0x92: {  	_ =	strace s17  }
0x93: {  	s2 =	sld [smem:$0x3FFC];
	_ =	sdelay $0x3  }
0x94: {  	_ =	strace s2  }
0x95: {  	s2 =	sld [smem:$0x3FFD];
	_ =	sdelay $0x3  }
0x96: {  	_ =	strace s2  }
0x97: {  	_ =	strace $0x8FFFFFFF  }
0x98: {  	s18 =	sld [smem:$0x3FDB];
	_ =	sdelay $0x1  }
0x99: {  	s19 =	simm.s32 $_scs_section_size  }
0x9a: {  	s4 =	simm.s32 $_size__tile_overlayer_lowered;
	s5 =	simm.s32 $_tile_overlayer_lowered  }
0x9b: {  	s22 =	simm.s32 $0x1BFF;
	s21 =	sshll.u32 s5, $0x1;
	s2 =	sadd.s32 s19, s18  }
0x9c: {  	s6 =	simm.s32 $0x0;
	s20 =	sshll.u32 s4, $0x1;
	s4 =	sadd.s32 s21, s2  }
0x9d: {  	[timem:s6], [sflag:s22] =	dma.local [hbm:s4], s20  }
0x9e: {  	_ =	swait.ge [sflag:s22], s20  }
0x9f: {  	s3 =	ssub.s32 $0x0, s20;
	[sflag:s22] =	ssyncset.done $0x0  }
0xa0: {  	[sflag:s22] =	ssyncadd.s32 s3;
	_ =	sdelay $0x1  }
0xa1: {  	s23 =	simm.s32 $0x1B8B  }
0xa2: {  	_ =	swait.ge [sflag:s23], $0x1  }
0xa3: {  	[sflag:s23] =	ssyncset.done $0x0  }
0xa4: {  	s25 =	simm.s32 $0x1B8E;
	s24 =	sld [smem:$0x3FFE];
	[sflag:s23] =	ssyncadd.s32 $0xFFFFFFFF  }
0xa5: {  	s26 =	simm.s32 $execute0_lowered;
	[smem:$0x3FD2] =	sst s25  }
0xa6: {  	s4 =	sshll.u32 s26, $0x1;
	_ =	strace $0x80000046;
	[dreg:$0x1] =	wrdreg $0xFFFFFFFF  }
0xa7: {  	s28 =	simm.s32 $_size_execute0_lowered;
	s2 =	sadd.s32 s2, s4;
	[dreg:$0x0] =	wrdreg $0x0  }
0xa8: {  	s4 =	sshll.u32 s28, $0x1;
	[dreg:$0x2] =	wrdreg s2  }
0xa9: {  	[dreg:$0x3] =	wrdreg s4  }
0xaa: {  	[dreg:$0x4] =	wrdreg $0xC0  }
0xab: {  	_ =	task [dreg:s6], $0x5FFFF  }
0xac: {  	[dreg:$0x1] =	wrdreg $0xFFFFFFFF  }
0xad: {  	[dreg:$0x0] =	wrdreg $0x60  }
0xae: {  	[dreg:$0x2] =	wrdreg s24  }
0xaf: {  	[dreg:$0x3] =	wrdreg $0x0  }
0xb0: {  	[dreg:$0x4] =	wrdreg $0x9  }
0xb1: {  	_ =	task.clear_ibuf [dreg:s6], $0x5FFFF;
	_ =	strace $0x90000046  }
0xb2: {  	s29 =	simm.s32 $0x9;
	_ =	strace $0x80000048  }
0xb3: {  	_ =	swait.ge [sflag:s29], $0x1  }
0xb4: {  	[sflag:s29] =	ssyncadd.s32 $0xFFFFFFFF  }
0xb5: {  	_ =	strace $0x90000048  }
0xb6: {  	_ =	sfence  }
0xb7: {  	s30 =	sld [smem:$0x0];
	_ =	sdelay $0x2  }
0xb8: {  	s31 =	sshll.u32 s1, $0xD;
	s1 =	sshrl.u32 s1, $0x2  }
0xb9: {  	s3 =	sand.u32 $0x4000, s31;
	s1 =	sadd.s32 s1, s30  }
0xba: {  	s0 =	sor.u32 s3, s0;
	s1 =	sshll.u32 s1, $0x11  }
0xbb: {  	s0 =	sor.u32 s1, s0  }
0xbc: {  	s0 =	sadd.s32 $0x8F2B, s0  }
0xbd: {  	[sflag:s0] =	ssyncadd.remote.s32 $0x1  }
0xbe: {  	_ =	sfence.sel $0xFFFF  }
0xbf: {  	[dreg:$0x0] =	wrdreg $0xFFFFFFFF;
	(pc) =	sbr.abs _section_cstart, $3  }
0xc0: {  	[dreg:$0x1] =	wrdreg $0xFFFFFFFF  }
0xc1: {  	_ =	task.clear_ibuf [dreg:s6], $0x2FFFF;
	_ =	strace $0x9FFFFFFF  }
0xc2: {  	(tm) =	ssettm $0x7FFFFFFF  }
0xc3: {  	_ =	shalt  }
tec
execute0_lowered:
.L_overlay_start_1:
0x0: {  	(tag) =	ssettag $0x1  }
0x1: {  	s6 =	rddreg [dreg:$0x0]  }
0x2: {  	s1 =	rddreg [dreg:$0x1]  }
0x3: {  	s2 =	srdreg.scid;
	s0 =	rddreg [dreg:$0x2];
	s3 =	simm.s32 $0x0  }
0x4: {  	s19 =	simm.s32 $0x18000;
	s20 =	simm.s32 $0x80;
	s7 =	sand.u32 $0x1, s2  }
0x5: {  	s21 =	simm.s32 $0x18080;
	s2 =	stileid.u32;
	s5 =	smul.u32 $0x140000, s7  }
0x6: {  	[smem:$0x7FF] =	sst s3;
	s15 =	sadd.s32 $0x2000, s6;
	s8 =	smul.u32 $0x14000, s2  }
0x7: {  	s4 =	sadd.s32 $0xBE00, s6;
	_ =	strace $0x80000047;
	s11 =	smul.u32 $0x50000, s2  }
0x8: {  	s9 =	sshll.u32 s7, $0x4;
	s10 =	ssub.s32 $0x2, s7;
	s25 =	smul.u32 $0x27800, s7  }
0x9: {  	s26 =	sshll.u32 s2, $0x6;
	s28 =	smul.u32 $0x2780, s2;
	s9 =	sor.u32 s2, s9  }
0xa: {  	s22 =	sshrl.u32 s10, $0x1;
	s8 =	sadd.s32 s8, s5;
	s5 =	sadd.s32 $0xE600, s6  }
0xb: {  	s23 =	smul.u32 $0x2780, s9;
	s13 =	ssub.s32 s10, s22;
	s24 =	sshrl.u32 s11, $0x2  }
0xc: {  	s14 =	sadd.s32 s28, s25;
	s22 =	simm.s32 $0x18100;
	s25 =	simm.s32 $0x0  }
0xd: {  	s8 =	sshrl.u32 s8, $0x3;
	s16 =	sadd.s32 s24, s1;
	s30 =	sshrl.u32 s14, $0x3  }
0xe: {  	s11 =	smax.u32 s13, $0x1;
	s31 =	sadd.s32 $0x180, s14;
	s17 =	sadd.s32 $0x100, s14  }
0xf: {  	s14 =	sadd.s32 $0x80, s14;
	s24 =	simm.s32 $0x1;
	s12 =	sadd.s32 s8, s6  }
0x10: {  	s8 =	sshrl.u32 s23, $0x3;
	s6 =	sor.u32 $0x1C02, s26;
	s13 =	sshrl.u32 s31, $0x3  }
0x11: {  	s17 =	sshrl.u32 s17, $0x3;
	s18 =	sshrl.u32 s14, $0x3;
	s16 =	sshrl.u32 s16, $0x3  }
0x12: {  	s23 =	simm.s32 $0x18180;
	s29 =	sadd.s32 s15, s8;
	s10 =	sadd.s32 $0xEE00, s12  }
0x13: {  	s12 =	sadd.s32 s30, s15;
	s13 =	sadd.s32 s13, s15;
	s14 =	sadd.s32 s17, s15  }
0x14: {  	s15 =	sadd.s32 s18, s15;
	s17 =	simm.s32 $0x2;
	s18 =	simm.s32 $0x14000  }
0x15: {  	s7 =	sadd.s32 $0x4C0, s29;
	s8 =	sadd.s32 $0x4D0, s29;
	s9 =	sadd.s32 $0x4E0, s29  }
.LBB2_1:
0x16: {  	[spmem:s16], [sflag:s6] =	dma.local [hbm:s4], $0x2800  }
0x17: {  	_ =	swait.ge [sflag:s17], $0x2800  }
0x18: {  	[sflag:s17] =	ssyncset.done $0x0  }
0x19: {  	[sflag:s17] =	ssyncadd.s32 $0xFFFFD800  }
0x1a: {  	[tilespmem:s18], [sflag:$0x2] =	stream.linear.gather [hbm4b:s5+s3], $0x4000, $0x38;
	[tilespmem:$0x18200] =	vst v63  }
0x1b: {  	_ =	swait.ge [sflag:s17], $0x4000  }
0x1c: {  	[sflag:s17] =	ssyncset.done $0x0  }
0x1d: {  	[sflag:s17] =	ssyncadd.s32 $0xFFFFC000  }
0x1e: {  	s26 =	sadd.s32 $0x0, s12;
	[bflag:$0x0] =	sbarrier.arrive $0xFFFF  }
0x1f: {  	[tilespmem:s19], [sflag:$0x2] =	stream.linear.gather [hbm4b:s26+s3], $0x80, $0x38;
	[tilespmem:$0x18200] =	vst v63  }
0x20: {  	_ =	swait.ge [sflag:s17], $0x80  }
0x21: {  	[sflag:s17] =	ssyncset.done $0x0  }
0x22: {  	[sflag:s17] =	ssyncadd.s32 $0xFFFFFF80  }
0x23: {  	[spmem:s1] =	stream.indirect.scatter.add.f32 [tilespmem:s18], [sflag:$0x1], $0x80, s19, s20, $0xb8;
	[tilespmem:$0x18200] =	vst v63  }
0x24: {  	s28 =	sadd.s32 $0x0, s15  }
0x25: {  	[tilespmem:s21], [sflag:$0x2] =	stream.linear.gather [hbm4b:s28+s3], $0x80, $0x38;
	[tilespmem:$0x18200] =	vst v63  }
0x26: {  	_ =	swait.ge [sflag:s17], $0x80  }
0x27: {  	[sflag:s17] =	ssyncset.done $0x0  }
0x28: {  	[sflag:s17] =	ssyncadd.s32 $0xFFFFFF80  }
0x29: {  	[spmem:s1] =	stream.indirect.scatter.add.f32 [tilespmem:s18], [sflag:$0x1], $0x80, s21, s20, $0xb8;
	[tilespmem:$0x18200] =	vst v63  }
0x2a: {  	s30 =	sadd.s32 $0x0, s14  }
0x2b: {  	[tilespmem:s22], [sflag:$0x2] =	stream.linear.gather [hbm4b:s30+s3], $0x80, $0x38;
	[tilespmem:$0x18200] =	vst v63  }
0x2c: {  	_ =	swait.ge [sflag:s17], $0x80  }
0x2d: {  	[sflag:s17] =	ssyncset.done $0x0  }
0x2e: {  	[sflag:s17] =	ssyncadd.s32 $0xFFFFFF80  }
0x2f: {  	[spmem:s1] =	stream.indirect.scatter.add.f32 [tilespmem:s18], [sflag:$0x1], $0x80, s22, s20, $0xb8;
	[tilespmem:$0x18200] =	vst v63  }
0x30: {  	s31 =	sadd.s32 $0x0, s13  }
0x31: {  	[tilespmem:s23], [sflag:$0x2] =	stream.linear.gather [hbm4b:s31+s3], $0x80, $0x38;
	[tilespmem:$0x18200] =	vst v63  }
0x32: {  	_ =	swait.ge [sflag:s17], $0x80  }
0x33: {  	[sflag:s17] =	ssyncset.done $0x0  }
0x34: {  	[sflag:s17] =	ssyncadd.s32 $0xFFFFFF80  }
0x35: {  	[spmem:s1] =	stream.indirect.scatter.add.f32 [tilespmem:s18], [sflag:$0x1], $0x80, s23, s20, $0xb8;
	[tilespmem:$0x18200] =	vst v63  }
0x36: {  	_ =	swait.ge [sflag:s24], $0x4000  }
0x37: {  	[sflag:s24] =	ssyncset.done $0x0  }
0x38: {  	[sflag:s24] =	ssyncadd.s32 $0xFFFFC000  }
0x39: {  	_ =	swait.ge [sflag:s24], $0x4000  }
0x3a: {  	[sflag:s24] =	ssyncset.done $0x0  }
0x3b: {  	[sflag:s24] =	ssyncadd.s32 $0xFFFFC000  }
0x3c: {  	_ =	swait.ge [sflag:s24], $0x4000  }
0x3d: {  	[sflag:s24] =	ssyncset.done $0x0  }
0x3e: {  	[sflag:s24] =	ssyncadd.s32 $0xFFFFC000  }
0x3f: {  	_ =	swait.ge [sflag:s24], $0x4000  }
0x40: {  	s29 =	simm.s32 $0x80;
	s26 =	simm.s32 $0x40;
	[sflag:s24] =	ssyncset.done $0x0  }
.LBB2_2:
0x41: {  	s30 =	sadd.s32 s26, s12  }
0x42: {  	[sflag:s24] =	ssyncadd.s32 $0xFFFFC000;
	s31 =	smov.u32 s29;
	s28 =	sadd.s32 $0x40, s29  }
0x43: {  	[tilespmem:s19], [sflag:$0x2] =	stream.linear.gather [hbm4b:s30+s3], $0x80, $0x38;
	[tilespmem:$0x18200] =	vst v63  }
0x44: {  	p0 =	sne.s32 s29, $0x480;
	_ =	swait.ge [sflag:s17], $0x80  }
0x45: {  	[sflag:s17] =	ssyncset.done $0x0  }
0x46: {  	[sflag:s17] =	ssyncadd.s32 $0xFFFFFF80  }
0x47: {  	[spmem:s1] =	stream.indirect.scatter.add.f32 [tilespmem:s18], [sflag:$0x1], $0x80, s19, s20, $0xb8;
	[tilespmem:$0x18200] =	vst v63  }
0x48: {  	s29 =	sadd.s32 s26, s15  }
0x49: {  	[tilespmem:s21], [sflag:$0x2] =	stream.linear.gather [hbm4b:s29+s3], $0x80, $0x38;
	[tilespmem:$0x18200] =	vst v63  }
0x4a: {  	_ =	swait.ge [sflag:s17], $0x80  }
0x4b: {  	[sflag:s17] =	ssyncset.done $0x0  }
0x4c: {  	[sflag:s17] =	ssyncadd.s32 $0xFFFFFF80  }
0x4d: {  	[spmem:s1] =	stream.indirect.scatter.add.f32 [tilespmem:s18], [sflag:$0x1], $0x80, s21, s20, $0xb8;
	[tilespmem:$0x18200] =	vst v63  }
0x4e: {  	s29 =	sadd.s32 s26, s14  }
0x4f: {  	[tilespmem:s22], [sflag:$0x2] =	stream.linear.gather [hbm4b:s29+s3], $0x80, $0x38;
	[tilespmem:$0x18200] =	vst v63  }
0x50: {  	_ =	swait.ge [sflag:s17], $0x80  }
0x51: {  	[sflag:s17] =	ssyncset.done $0x0  }
0x52: {  	[sflag:s17] =	ssyncadd.s32 $0xFFFFFF80  }
0x53: {  	[spmem:s1] =	stream.indirect.scatter.add.f32 [tilespmem:s18], [sflag:$0x1], $0x80, s22, s20, $0xb8;
	[tilespmem:$0x18200] =	vst v63  }
0x54: {  	s29 =	sadd.s32 s26, s13;
	s26 =	smov.u32 s31  }
0x55: {  	[tilespmem:s23], [sflag:$0x2] =	stream.linear.gather [hbm4b:s29+s3], $0x80, $0x38;
	[tilespmem:$0x18200] =	vst v63  }
0x56: {  	_ =	swait.ge [sflag:s17], $0x80  }
0x57: {  	[sflag:s17] =	ssyncset.done $0x0  }
0x58: {  	[sflag:s17] =	ssyncadd.s32 $0xFFFFFF80  }
0x59: {  	[spmem:s1] =	stream.indirect.scatter.add.f32 [tilespmem:s18], [sflag:$0x1], $0x80, s23, s20, $0xb8;
	[tilespmem:$0x18200] =	vst v63  }
0x5a: {  	_ =	swait.ge [sflag:s24], $0x4000  }
0x5b: {  	[sflag:s24] =	ssyncset.done $0x0  }
0x5c: {  	[sflag:s24] =	ssyncadd.s32 $0xFFFFC000  }
0x5d: {  	_ =	swait.ge [sflag:s24], $0x4000  }
0x5e: {  	[sflag:s24] =	ssyncset.done $0x0  }
0x5f: {  	[sflag:s24] =	ssyncadd.s32 $0xFFFFC000  }
.Ltmp0:
0x60: {  	_ =	swait.ge [sflag:s24], $0x4000;
	(pc) =	sbr.rel @p0 .LBB2_2-.Ltmp0, $4  }
0x61: {  	[sflag:s24] =	ssyncset.done $0x0  }
0x62: {  	[sflag:s24] =	ssyncadd.s32 $0xFFFFC000  }
0x63: {  	_ =	swait.ge [sflag:s24], $0x4000  }
0x64: {  	s29 =	smov.u32 s28;
	[sflag:s24] =	ssyncset.done $0x0  }
0x65: {  	s28 =	sadd.s32 s26, s12;
	[sflag:s24] =	ssyncadd.s32 $0xFFFFC000  }
0x66: {  	[tilespmem:s19], [sflag:$0x2] =	stream.linear.gather [hbm4b:s28+s3], $0x80, $0x38;
	[tilespmem:$0x18200] =	vst v63  }
0x67: {  	_ =	swait.ge [sflag:s17], $0x80  }
0x68: {  	[sflag:s17] =	ssyncset.done $0x0  }
0x69: {  	[sflag:s17] =	ssyncadd.s32 $0xFFFFFF80  }
0x6a: {  	[spmem:s1] =	stream.indirect.scatter.add.f32 [tilespmem:s18], [sflag:$0x1], $0x80, s19, s20, $0xb8;
	[tilespmem:$0x18200] =	vst v63  }
0x6b: {  	s29 =	sadd.s32 s26, s15  }
0x6c: {  	[tilespmem:s21], [sflag:$0x2] =	stream.linear.gather [hbm4b:s29+s3], $0x80, $0x38;
	[tilespmem:$0x18200] =	vst v63  }
0x6d: {  	_ =	swait.ge [sflag:s17], $0x80  }
0x6e: {  	[sflag:s17] =	ssyncset.done $0x0  }
0x6f: {  	[sflag:s17] =	ssyncadd.s32 $0xFFFFFF80  }
0x70: {  	[spmem:s1] =	stream.indirect.scatter.add.f32 [tilespmem:s18], [sflag:$0x1], $0x80, s21, s20, $0xb8;
	[tilespmem:$0x18200] =	vst v63  }
0x71: {  	s30 =	sadd.s32 s26, s14  }
0x72: {  	[tilespmem:s22], [sflag:$0x2] =	stream.linear.gather [hbm4b:s30+s3], $0x80, $0x38;
	[tilespmem:$0x18200] =	vst v63  }
0x73: {  	_ =	swait.ge [sflag:s17], $0x80  }
0x74: {  	[sflag:s17] =	ssyncset.done $0x0  }
0x75: {  	[sflag:s17] =	ssyncadd.s32 $0xFFFFFF80  }
0x76: {  	[spmem:s1] =	stream.indirect.scatter.add.f32 [tilespmem:s18], [sflag:$0x1], $0x80, s22, s20, $0xb8;
	[tilespmem:$0x18200] =	vst v63  }
0x77: {  	s31 =	sadd.s32 s26, s13  }
0x78: {  	[tilespmem:s23], [sflag:$0x2] =	stream.linear.gather [hbm4b:s31+s3], $0x80, $0x38;
	[tilespmem:$0x18200] =	vst v63  }
0x79: {  	_ =	swait.ge [sflag:s17], $0x80  }
0x7a: {  	[sflag:s17] =	ssyncset.done $0x0  }
0x7b: {  	[sflag:s17] =	ssyncadd.s32 $0xFFFFFF80  }
0x7c: {  	[spmem:s1] =	stream.indirect.scatter.add.f32 [tilespmem:s18], [sflag:$0x1], $0x80, s23, s20, $0xb8;
	[tilespmem:$0x18200] =	vst v63  }
0x7d: {  	_ =	swait.ge [sflag:s24], $0x4000  }
0x7e: {  	[sflag:s24] =	ssyncset.done $0x0  }
0x7f: {  	[sflag:s24] =	ssyncadd.s32 $0xFFFFC000  }
0x80: {  	_ =	swait.ge [sflag:s24], $0x4000  }
0x81: {  	[sflag:s24] =	ssyncset.done $0x0  }
0x82: {  	[sflag:s24] =	ssyncadd.s32 $0xFFFFC000  }
0x83: {  	_ =	swait.ge [sflag:s24], $0x4000  }
0x84: {  	[sflag:s24] =	ssyncset.done $0x0  }
0x85: {  	[sflag:s24] =	ssyncadd.s32 $0xFFFFC000  }
0x86: {  	_ =	swait.ge [sflag:s24], $0x4000  }
0x87: {  	[sflag:s24] =	ssyncset.done $0x0  }
0x88: {  	[sflag:s24] =	ssyncadd.s32 $0xFFFFC000  }
0x89: {  	[tilespmem:s19], [sflag:$0x2] =	stream.linear.gather [hbm4b:s7+s3], $0x80, $0x38;
	[tilespmem:$0x18200] =	vst v63  }
0x8a: {  	_ =	swait.ge [sflag:s17], $0x80  }
0x8b: {  	[sflag:s17] =	ssyncset.done $0x0  }
0x8c: {  	[sflag:s17] =	ssyncadd.s32 $0xFFFFFF80  }
0x8d: {  	[spmem:s1] =	stream.indirect.scatter.add.f32 [tilespmem:s18], [sflag:$0x2], $0x80, s19, s20, $0xb8;
	[tilespmem:$0x18200] =	vst v63  }
0x8e: {  	_ =	swait.ge [sflag:s17], $0x4000  }
0x8f: {  	[sflag:s17] =	ssyncset.done $0x0  }
0x90: {  	[sflag:s17] =	ssyncadd.s32 $0xFFFFC000  }
0x91: {  	[tilespmem:s19], [sflag:$0x2] =	stream.linear.gather [hbm4b:s8+s3], $0x80, $0x38;
	[tilespmem:$0x18200] =	vst v63  }
0x92: {  	_ =	swait.ge [sflag:s17], $0x80  }
0x93: {  	[sflag:s17] =	ssyncset.done $0x0  }
0x94: {  	[sflag:s17] =	ssyncadd.s32 $0xFFFFFF80  }
0x95: {  	[spmem:s1] =	stream.indirect.scatter.add.f32 [tilespmem:s18], [sflag:$0x2], $0x80, s19, s20, $0xb8;
	[tilespmem:$0x18200] =	vst v63  }
0x96: {  	_ =	swait.ge [sflag:s17], $0x4000  }
0x97: {  	[sflag:s17] =	ssyncset.done $0x0  }
0x98: {  	[sflag:s17] =	ssyncadd.s32 $0xFFFFC000  }
0x99: {  	[tilespmem:s19], [sflag:$0x2] =	stream.linear.gather [hbm4b:s9+s3], $0x80, $0x38;
	[tilespmem:$0x18200] =	vst v63  }
0x9a: {  	_ =	swait.ge [sflag:s17], $0x80  }
0x9b: {  	[sflag:s17] =	ssyncset.done $0x0  }
0x9c: {  	[sflag:s17] =	ssyncadd.s32 $0xFFFFFF80  }
0x9d: {  	[spmem:s1] =	stream.indirect.scatter.add.f32 [tilespmem:s18], [sflag:$0x2], $0x80, s19, s20, $0xb8;
	[tilespmem:$0x18200] =	vst v63  }
0x9e: {  	_ =	swait.ge [sflag:s17], $0x4000  }
0x9f: {  	s25 =	sadd.s32 $0x1, s25;
	[sflag:s17] =	ssyncset.done $0x0  }
0xa0: {  	p0 =	sne.s32 s25, s11;
	[sflag:s17] =	ssyncadd.s32 $0xFFFFC000  }
.Ltmp1:
0xa1: {  	[bflag:$0x0] =	sbarrier.arrive $0xFFFF;
	(pc) =	sbr.rel @p0 .LBB2_1-.Ltmp1, $4  }
0xa2: {  	[hbm:s10], [sflag:s6] =	dma.local [spmem:s16], $0x2800  }
0xa3: {  	_ =	swait.ge [sflag:s17], $0x2800  }
0xa4: {  	[sflag:s17] =	ssyncset.done $0x0  }
0xa5: {  	[sflag:s17] =	ssyncadd.s32 $0xFFFFD800  }
0xa6: {  	_ =	sfence.sel $0x180000  }
0xa7: {  	[bflag:$0x0] =	sbarrier.arrive $0xFFFF  }
0xa8: {  	p0 =	sne.s32 s2, $0x0;
	_ =	strace $0x90000047  }
0xa9: {  	s0 =	sadd.s32 @!p0 $0x100000, s0;
	[bflag:$0x2] =	sbarrier.arrive $0xFFFF  }
0xaa: {  	[sflag:s0] =	ssyncadd.tile.s32 @!p0 $0x1;
	_ =	shalt  }
.Lfunc_end2:
_tile_overlayer_lowered:
.L_overlay_start_2:
0xab: {  	(tag) =	ssettag $0x2  }
0xac: {  	s0 =	rddreg [dreg:$0x0];
	s2 =	stileid.u32  }
0xad: {  	s1 =	rddreg [dreg:$0x1];
	p0 =	sne.s32 s2, $0x0  }
0xae: {  	s3 =	rddreg [dreg:$0x2];
	[bflag:$0x3] =	sbarrier.arrive $0xFFFF;
	s2 =	simm.s32 @!p0 $0x1C02  }
0xaf: {  	[timem:s3], [sflag:s2] =	dma.local @!p0 [hbm:s0], s1  }
0xb0: {  	s0 =	simm.s32 @!p0 $0x2  }
0xb1: {  	_ =	swait.ge @!p0 [sflag:s0], s1  }
0xb2: {  	s1 =	ssub.s32 @!p0 $0x0, s1;
	[sflag:s0] =	ssyncset.done @!p0 $0x0  }
0xb3: {  	[sflag:s0] =	ssyncadd.s32 @!p0 s1  }
0xb4: {  	[bflag:$0x3] =	sbarrier.arrive $0xFFFF  }
0xb5: {  	_ =	shalt  }

</sc_bundles>
